<compile_context>
chip_gen: v7x
topology: tpu7x:2x2x1
jax: 0.10.2.dev20260603
libtpu: 0.0.44.dev20260713+nightly
codegen_flags: <defaults>
</compile_context>

<pallas_src>
import functools

import jax
import jax.numpy as jnp
from jax import lax
from jax.experimental import pallas as pl
from jax.experimental.pallas import tpu as pltpu
from jax.experimental.pallas import tpu_sc as plsc

N_ROWS = 18432
N_STATES = 1024
Z_DIM = 64
BLOCK = 1024
N_CHUNKS = 2
CHUNK_ROWS = N_ROWS // N_CHUNKS
CHUNK_BLOCKS = CHUNK_ROWS // BLOCK
COMMITMENT_COST = 0.25

_SC_INFO = plsc.get_sparse_core_info()
N_WORKERS = _SC_INFO.num_cores * _SC_INFO.num_subcores
RPW = CHUNK_ROWS // N_WORKERS
IDX_TILE = 96
N_IDX_TILES = RPW // IDX_TILE


def _tc_kernel(chunk, x_ref, w_ref, cin_ref,
               enc_ref, idx_ref, cout_ref, perp_ref,
               wn_ref, iota_ref, counts_ref):
    del chunk
    i = pl.program_id(0)
    x = x_ref[...]
    w = w_ref[...]

    @pl.when(i == 0)
    def _init():
        wn_ref[...] = jnp.sum(w * w, axis=1).reshape(1, N_STATES)
        iota_ref[...] = jax.lax.broadcasted_iota(
            jnp.int32, (1, N_STATES), 1).astype(jnp.float32)
        counts_ref[...] = cin_ref[...]

    rn = jnp.sum(x * x, axis=1, keepdims=True)
    mm2 = jax.lax.dot_general(x + x, w, (((1,), (1,)), ((), ())),
                              preferred_element_type=jnp.float32)
    d = rn + wn_ref[...] - mm2

    m = jnp.min(d, axis=1, keepdims=True)
    ii = iota_ref[...]
    idxf = jnp.min(jnp.where(d == m, ii, jnp.float32(N_STATES)),
                   axis=1, keepdims=True)
    onehot = (ii == idxf).astype(jnp.float32)
    enc_ref[...] = onehot
    idx_ref[...] = idxf

    ones_row = jnp.ones((1, BLOCK), jnp.float32)
    counts_ref[...] += jax.lax.dot_general(
        ones_row, onehot, (((1,), (0,)), ((), ())),
        preferred_element_type=jnp.float32)

    @pl.when(i == CHUNK_BLOCKS - 1)
    def _fini():
        cout_ref[...] = counts_ref[...]
        avg = counts_ref[...] / N_ROWS
        ent = jnp.sum(avg * jnp.log(avg + 1e-10), keepdims=True)
        perp_ref[...] = jnp.exp(-ent)


def _tc_call(chunk, x, w, counts_in, enc_prev):
    base = chunk * CHUNK_BLOCKS
    in_specs = [
        pl.BlockSpec((BLOCK, Z_DIM), lambda i: (base + i, 0)),
        pl.BlockSpec((N_STATES, Z_DIM), lambda i: (0, 0)),
        pl.BlockSpec((1, N_STATES), lambda i: (0, 0)),
    ]
    args = [x, w, counts_in]
    io_aliases = {}
    if enc_prev is not None:
        in_specs.append(pl.BlockSpec(memory_space=pl.ANY))
        args.append(enc_prev)
        io_aliases = {3: 0}

    def body(*refs):
        if enc_prev is not None:
            refs = refs[:3] + refs[4:]
        return _tc_kernel(chunk, *refs)

    return pl.pallas_call(
        body,
        grid=(CHUNK_BLOCKS,),
        in_specs=in_specs,
        out_specs=[
            pl.BlockSpec((BLOCK, N_STATES), lambda i: (base + i, 0)),
            pl.BlockSpec((BLOCK, 1), lambda i: (i, 0)),
            pl.BlockSpec((1, N_STATES), lambda i: (0, 0)),
            pl.BlockSpec((1, 1), lambda i: (0, 0)),
        ],
        out_shape=[
            jax.ShapeDtypeStruct((N_ROWS, N_STATES), jnp.float32),
            jax.ShapeDtypeStruct((CHUNK_ROWS, 1), jnp.float32),
            jax.ShapeDtypeStruct((1, N_STATES), jnp.float32),
            jax.ShapeDtypeStruct((1, 1), jnp.float32),
        ],
        scratch_shapes=[
            pltpu.VMEM((1, N_STATES), jnp.float32),
            pltpu.VMEM((1, N_STATES), jnp.float32),
            pltpu.VMEM((1, N_STATES), jnp.float32),
        ],
        input_output_aliases=io_aliases,
    )(*args)


def _sc_body(chunk, w_hbm, idx_hbm, x_hbm, qst_hbm, sse_hbm,
             idx_v, rows_v, x_v, qst_v, acc_v, sem):
    nc = _SC_INFO.num_cores
    wid = lax.axis_index("s") * nc + lax.axis_index("c")
    base = wid * RPW
    gbase = chunk * CHUNK_ROWS + base

    for k in range(N_IDX_TILES):
        pltpu.sync_copy(idx_hbm.at[pl.ds(base + k * IDX_TILE, IDX_TILE)],
                        idx_v.at[k])
    copies = [
        pltpu.async_copy(w_hbm.at[idx_v.at[k]],
                         rows_v.at[pl.ds(k * IDX_TILE, IDX_TILE)], sem)
        for k in range(N_IDX_TILES)
    ]
    pltpu.sync_copy(x_hbm.at[pl.ds(gbase, RPW)], x_v)
    for c in copies:
        c.wait()

    def row(r, acc):
        accs = []
        for j in range(Z_DIM // 16):
            xv = x_v[r, pl.ds(j * 16, 16)]
            qv = rows_v[r, pl.ds(j * 16, 16)]
            dq = qv - xv
            qst_v[r, pl.ds(j * 16, 16)] = xv + dq
            accs.append(dq * dq)
        return acc + accs[0] + accs[1] + accs[2] + accs[3]

    acc = lax.fori_loop(0, RPW, row, jnp.zeros((16,), jnp.float32))
    acc_v[...] = acc
    pltpu.sync_copy(qst_v, qst_hbm.at[pl.ds(base, RPW)])
    pltpu.sync_copy(acc_v, sse_hbm.at[wid])


def _sc_call(chunk, w, idx_i32, x):
    mesh = plsc.VectorSubcoreMesh(core_axis_name="c", subcore_axis_name="s")
    fn = pl.kernel(
        functools.partial(_sc_body, chunk),
        mesh=mesh,
        out_type=[
            jax.ShapeDtypeStruct((CHUNK_ROWS, Z_DIM), jnp.float32),
            jax.ShapeDtypeStruct((N_WORKERS, 16), jnp.float32),
        ],
        scratch_types=[
            pltpu.VMEM((N_IDX_TILES, IDX_TILE), jnp.int32),
            pltpu.VMEM((RPW, 128), jnp.float32),
            pltpu.VMEM((RPW, Z_DIM), jnp.float32),
            pltpu.VMEM((RPW, Z_DIM), jnp.float32),
            pltpu.VMEM((16,), jnp.float32),
            pltpu.SemaphoreType.DMA,
        ],
    )
    return fn(w, idx_i32, x)


@jax.jit
def kernel(inputs, weight):
    counts0 = jnp.zeros((1, N_STATES), jnp.float32)
    enc0, idxf0, counts1, _ = _tc_call(0, inputs, weight, counts0, None)
    idx0 = idxf0.reshape(CHUNK_ROWS).astype(jnp.int32)
    enc, idxf1, _, perp = _tc_call(1, inputs, weight, counts1, enc0)
    idx1 = idxf1.reshape(CHUNK_ROWS).astype(jnp.int32)

    w_pad = jnp.concatenate([weight, jnp.zeros_like(weight)], axis=1)
    qst0, sse_p0 = _sc_call(0, w_pad, idx0, inputs)
    qst1, sse_p1 = _sc_call(1, w_pad, idx1, inputs)
    qst = jnp.concatenate([qst0, qst1], axis=0)

    sse = jnp.sum(sse_p0) + jnp.sum(sse_p1)
    loss = (1.0 + COMMITMENT_COST) * sse / (N_ROWS * Z_DIM)
    return (loss, qst, perp.reshape(()), enc)

# --- scband reference (transcript-rebuilt; emitter-appended) ---
"""Pipeline reference for scband-vector-quantizer-65180423685706 (READ-ONLY COPY).

The authoritative reference and input builder live on the scoring server;
editing this copy changes nothing except your own understanding.
"""

import jax, jax.numpy as jnp
import numpy as np

N_STATES = 1024
Z_DIM = 64
COMMITMENT_COST = 0.25


def setup_inputs(seed: int = 0) -> dict:
    key = jax.random.key(seed)
    k1, k2 = jax.random.split(key)
    inputs = jax.random.normal(k1, (18432, Z_DIM), dtype=jnp.float32)
    # embedding weight initialized uniform(-1/N_STATES, 1/N_STATES) as in torch module
    weight = jax.random.uniform(k2, (N_STATES, Z_DIM), dtype=jnp.float32,
                                minval=-1.0 / N_STATES, maxval=1.0 / N_STATES)
    return {"inputs": inputs, "weight": weight}


def reference(inputs, weight):
    # distances[i, j] = ||inputs_i||^2 + ||w_j||^2 - 2 <inputs_i, w_j>
    distances = (jnp.sum(inputs ** 2, axis=1, keepdims=True)
                 + jnp.sum(weight ** 2, axis=1)
                 - 2.0 * jnp.matmul(inputs, weight.T))
    encoding_indices = jnp.argmin(distances, axis=1)
    # scatter of ones into a zeros matrix == one-hot encodings
    encodings = jnp.zeros((inputs.shape[0], N_STATES), dtype=inputs.dtype)
    encodings = encodings.at[jnp.arange(inputs.shape[0]), encoding_indices].set(1.0)
    quantized = jnp.matmul(encodings, weight)
    e_latent_loss = jnp.mean((jax.lax.stop_gradient(quantized) - inputs) ** 2)
    q_latent_loss = jnp.mean((quantized - jax.lax.stop_gradient(inputs)) ** 2)
    loss = q_latent_loss + COMMITMENT_COST * e_latent_loss
    quantized_st = inputs + jax.lax.stop_gradient(quantized - inputs)
    avg_probs = jnp.mean(encodings, axis=0)
    perplexity = jnp.exp(-jnp.sum(avg_probs * jnp.log(avg_probs + 1e-10)))
    return (loss, quantized_st, perplexity, encodings)

if __name__ == "__main__":
    import jax
    _d = setup_inputs()
    print(jax.jit(kernel)(*tuple(_d.values())))

</pallas_src>

<mosaic_0001>
#map = affine_map<(d0, d1) -> (0, 0)>
#map1 = affine_map<(d0, d1) -> (0)>
module attributes {stable_mosaic.version = 14 : i64} {
  func.func @_sc_body(%arg0: i32, %arg1: i32, %arg2: memref<1024x128xf32, #tpu.memory_space<hbm>>, %arg3: memref<9216xi32, #tpu.memory_space<hbm>>, %arg4: memref<18432x64xf32, #tpu.memory_space<hbm>>, %arg5: memref<9216x64xf32, #tpu.memory_space<hbm>>, %arg6: memref<32x16xf32, #tpu.memory_space<hbm>>, %arg7: memref<3x96xi32, #tpu.memory_space<vmem>>, %arg8: memref<288x128xf32, #tpu.memory_space<vmem>>, %arg9: memref<288x64xf32, #tpu.memory_space<vmem>>, %arg10: memref<288x64xf32, #tpu.memory_space<vmem>>, %arg11: memref<16xf32, #tpu.memory_space<vmem>>, %arg12: memref<!tpu.dma_semaphore, #tpu.memory_space<semaphore_mem>>) attributes {dimension_semantics = [#tpu.dimension_semantics<core_parallel>, #tpu.dimension_semantics<subcore_parallel>], iteration_bounds = array<i64: 2, 16>, scalar_prefetch = 0 : i64, scratch_operands = 6 : i64, tpu.core_type = #tpu.core_type<sc_vector_subcore>, window_params = [{transform_indices = #map}, {transform_indices = #map1}, {transform_indices = #map}, {transform_indices = #map}, {transform_indices = #map}]} {
    %mul3A = arith.constant 2 : i32
    %mul3A_0 = arith.muli %arg1, %mul3A : i32
    %add3A = arith.addi %mul3A_0, %arg0 : i32
    %mul3A_1 = arith.constant 288 : i32
    %mul3A_2 = arith.muli %add3A, %mul3A_1 : i32
    %add3A_3 = arith.constant 9216 : i32
    %add3A_4 = arith.addi %add3A_3, %mul3A_2 : i32
    %add3A_5 = arith.constant 0 : i32
    %add3A_6 = arith.addi %mul3A_2, %add3A_5 : i32
    %run_scoped3A = arith.constant 0 : i32
    "tpu.region"() ({
      %run_scoped3A_80 = tpu.sem_alloc : memref<!tpu.dma_semaphore, #tpu.memory_space<semaphore_mem>>
      %dma_start3A_81 = arith.constant 0 : i32
      %dma_start3A_82 = tpu.memref_slice %arg7[%run_scoped3A, %dma_start3A_81] : memref<3x96xi32, #tpu.memory_space<vmem>> -> memref<1x96xi32, #tpu.memory_space<vmem>>
      %dma_start3A_83 = tpu.memref_squeeze %dma_start3A_82 : memref<1x96xi32, #tpu.memory_space<vmem>> -> memref<96xi32, #tpu.memory_space<vmem>>
      %dma_start3A_84 = tpu.memref_slice %arg3[%add3A_6] : memref<9216xi32, #tpu.memory_space<hbm>> -> memref<96xi32, #tpu.memory_space<hbm>>
      %dma_start3A_85 = arith.constant 0 : i32
      %dma_start3A_86 = tpu.memref_slice %arg7[%run_scoped3A, %dma_start3A_85] : memref<3x96xi32, #tpu.memory_space<vmem>> -> memref<1x96xi32, #tpu.memory_space<vmem>>
      %dma_start3A_87 = tpu.memref_squeeze %dma_start3A_86 : memref<1x96xi32, #tpu.memory_space<vmem>> -> memref<96xi32, #tpu.memory_space<vmem>>
      %dma_start3A_88 = tpu.memref_slice %arg3[%add3A_6] : memref<9216xi32, #tpu.memory_space<hbm>> -> memref<96xi32, #tpu.memory_space<hbm>>
      tpu.enqueue_dma source(%dma_start3A_88 : memref<96xi32, #tpu.memory_space<hbm>>) target(%dma_start3A_87 : memref<96xi32, #tpu.memory_space<vmem>>) target_semaphore(%run_scoped3A_80 : memref<!tpu.dma_semaphore, #tpu.memory_space<semaphore_mem>>)
      %dma_wait3A_89 = arith.constant 0 : i32
      %dma_wait3A_90 = tpu.memref_slice %arg7[%run_scoped3A, %dma_wait3A_89] : memref<3x96xi32, #tpu.memory_space<vmem>> -> memref<1x96xi32, #tpu.memory_space<vmem>>
      %dma_wait3A_91 = tpu.memref_squeeze %dma_wait3A_90 : memref<1x96xi32, #tpu.memory_space<vmem>> -> memref<96xi32, #tpu.memory_space<vmem>>
      %dma_wait3A_92 = tpu.memref_slice %arg3[%add3A_6] : memref<9216xi32, #tpu.memory_space<hbm>> -> memref<96xi32, #tpu.memory_space<hbm>>
      %dma_wait3A_93 = arith.constant 0 : i32
      %dma_wait3A_94 = tpu.memref_slice %arg7[%run_scoped3A, %dma_wait3A_93] : memref<3x96xi32, #tpu.memory_space<vmem>> -> memref<1x96xi32, #tpu.memory_space<vmem>>
      %dma_wait3A_95 = tpu.memref_squeeze %dma_wait3A_94 : memref<1x96xi32, #tpu.memory_space<vmem>> -> memref<96xi32, #tpu.memory_space<vmem>>
      %dma_wait3A_96 = tpu.memref_slice %arg3[%add3A_6] : memref<9216xi32, #tpu.memory_space<hbm>> -> memref<96xi32, #tpu.memory_space<hbm>>
      tpu.wait_dma2 semaphore(%run_scoped3A_80 : memref<!tpu.dma_semaphore, #tpu.memory_space<semaphore_mem>>) src(%dma_wait3A_96 : memref<96xi32, #tpu.memory_space<hbm>>) dst(%dma_wait3A_95 : memref<96xi32, #tpu.memory_space<vmem>>)
      tpu.yield
    }) : () -> ()
    %add3A_7 = arith.constant 96 : i32
    %add3A_8 = arith.addi %mul3A_2, %add3A_7 : i32
    %run_scoped3A_9 = arith.constant 1 : i32
    "tpu.region"() ({
      %run_scoped3A_80 = tpu.sem_alloc : memref<!tpu.dma_semaphore, #tpu.memory_space<semaphore_mem>>
      %dma_start3A_81 = arith.constant 0 : i32
      %dma_start3A_82 = tpu.memref_slice %arg7[%run_scoped3A_9, %dma_start3A_81] : memref<3x96xi32, #tpu.memory_space<vmem>> -> memref<1x96xi32, #tpu.memory_space<vmem>>
      %dma_start3A_83 = tpu.memref_squeeze %dma_start3A_82 : memref<1x96xi32, #tpu.memory_space<vmem>> -> memref<96xi32, #tpu.memory_space<vmem>>
      %dma_start3A_84 = tpu.memref_slice %arg3[%add3A_8] : memref<9216xi32, #tpu.memory_space<hbm>> -> memref<96xi32, #tpu.memory_space<hbm>>
      %dma_start3A_85 = arith.constant 0 : i32
      %dma_start3A_86 = tpu.memref_slice %arg7[%run_scoped3A_9, %dma_start3A_85] : memref<3x96xi32, #tpu.memory_space<vmem>> -> memref<1x96xi32, #tpu.memory_space<vmem>>
      %dma_start3A_87 = tpu.memref_squeeze %dma_start3A_86 : memref<1x96xi32, #tpu.memory_space<vmem>> -> memref<96xi32, #tpu.memory_space<vmem>>
      %dma_start3A_88 = tpu.memref_slice %arg3[%add3A_8] : memref<9216xi32, #tpu.memory_space<hbm>> -> memref<96xi32, #tpu.memory_space<hbm>>
      tpu.enqueue_dma source(%dma_start3A_88 : memref<96xi32, #tpu.memory_space<hbm>>) target(%dma_start3A_87 : memref<96xi32, #tpu.memory_space<vmem>>) target_semaphore(%run_scoped3A_80 : memref<!tpu.dma_semaphore, #tpu.memory_space<semaphore_mem>>)
      %dma_wait3A_89 = arith.constant 0 : i32
      %dma_wait3A_90 = tpu.memref_slice %arg7[%run_scoped3A_9, %dma_wait3A_89] : memref<3x96xi32, #tpu.memory_space<vmem>> -> memref<1x96xi32, #tpu.memory_space<vmem>>
      %dma_wait3A_91 = tpu.memref_squeeze %dma_wait3A_90 : memref<1x96xi32, #tpu.memory_space<vmem>> -> memref<96xi32, #tpu.memory_space<vmem>>
      %dma_wait3A_92 = tpu.memref_slice %arg3[%add3A_8] : memref<9216xi32, #tpu.memory_space<hbm>> -> memref<96xi32, #tpu.memory_space<hbm>>
      %dma_wait3A_93 = arith.constant 0 : i32
      %dma_wait3A_94 = tpu.memref_slice %arg7[%run_scoped3A_9, %dma_wait3A_93] : memref<3x96xi32, #tpu.memory_space<vmem>> -> memref<1x96xi32, #tpu.memory_space<vmem>>
      %dma_wait3A_95 = tpu.memref_squeeze %dma_wait3A_94 : memref<1x96xi32, #tpu.memory_space<vmem>> -> memref<96xi32, #tpu.memory_space<vmem>>
      %dma_wait3A_96 = tpu.memref_slice %arg3[%add3A_8] : memref<9216xi32, #tpu.memory_space<hbm>> -> memref<96xi32, #tpu.memory_space<hbm>>
      tpu.wait_dma2 semaphore(%run_scoped3A_80 : memref<!tpu.dma_semaphore, #tpu.memory_space<semaphore_mem>>) src(%dma_wait3A_96 : memref<96xi32, #tpu.memory_space<hbm>>) dst(%dma_wait3A_95 : memref<96xi32, #tpu.memory_space<vmem>>)
      tpu.yield
    }) : () -> ()
    %add3A_10 = arith.constant 192 : i32
    %add3A_11 = arith.addi %mul3A_2, %add3A_10 : i32
    %run_scoped3A_12 = arith.constant 2 : i32
    "tpu.region"() ({
      %run_scoped3A_80 = tpu.sem_alloc : memref<!tpu.dma_semaphore, #tpu.memory_space<semaphore_mem>>
      %dma_start3A_81 = arith.constant 0 : i32
      %dma_start3A_82 = tpu.memref_slice %arg7[%run_scoped3A_12, %dma_start3A_81] : memref<3x96xi32, #tpu.memory_space<vmem>> -> memref<1x96xi32, #tpu.memory_space<vmem>>
      %dma_start3A_83 = tpu.memref_squeeze %dma_start3A_82 : memref<1x96xi32, #tpu.memory_space<vmem>> -> memref<96xi32, #tpu.memory_space<vmem>>
      %dma_start3A_84 = tpu.memref_slice %arg3[%add3A_11] : memref<9216xi32, #tpu.memory_space<hbm>> -> memref<96xi32, #tpu.memory_space<hbm>>
      %dma_start3A_85 = arith.constant 0 : i32
      %dma_start3A_86 = tpu.memref_slice %arg7[%run_scoped3A_12, %dma_start3A_85] : memref<3x96xi32, #tpu.memory_space<vmem>> -> memref<1x96xi32, #tpu.memory_space<vmem>>
      %dma_start3A_87 = tpu.memref_squeeze %dma_start3A_86 : memref<1x96xi32, #tpu.memory_space<vmem>> -> memref<96xi32, #tpu.memory_space<vmem>>
      %dma_start3A_88 = tpu.memref_slice %arg3[%add3A_11] : memref<9216xi32, #tpu.memory_space<hbm>> -> memref<96xi32, #tpu.memory_space<hbm>>
      tpu.enqueue_dma source(%dma_start3A_88 : memref<96xi32, #tpu.memory_space<hbm>>) target(%dma_start3A_87 : memref<96xi32, #tpu.memory_space<vmem>>) target_semaphore(%run_scoped3A_80 : memref<!tpu.dma_semaphore, #tpu.memory_space<semaphore_mem>>)
      %dma_wait3A_89 = arith.constant 0 : i32
      %dma_wait3A_90 = tpu.memref_slice %arg7[%run_scoped3A_12, %dma_wait3A_89] : memref<3x96xi32, #tpu.memory_space<vmem>> -> memref<1x96xi32, #tpu.memory_space<vmem>>
      %dma_wait3A_91 = tpu.memref_squeeze %dma_wait3A_90 : memref<1x96xi32, #tpu.memory_space<vmem>> -> memref<96xi32, #tpu.memory_space<vmem>>
      %dma_wait3A_92 = tpu.memref_slice %arg3[%add3A_11] : memref<9216xi32, #tpu.memory_space<hbm>> -> memref<96xi32, #tpu.memory_space<hbm>>
      %dma_wait3A_93 = arith.constant 0 : i32
      %dma_wait3A_94 = tpu.memref_slice %arg7[%run_scoped3A_12, %dma_wait3A_93] : memref<3x96xi32, #tpu.memory_space<vmem>> -> memref<1x96xi32, #tpu.memory_space<vmem>>
      %dma_wait3A_95 = tpu.memref_squeeze %dma_wait3A_94 : memref<1x96xi32, #tpu.memory_space<vmem>> -> memref<96xi32, #tpu.memory_space<vmem>>
      %dma_wait3A_96 = tpu.memref_slice %arg3[%add3A_11] : memref<9216xi32, #tpu.memory_space<hbm>> -> memref<96xi32, #tpu.memory_space<hbm>>
      tpu.wait_dma2 semaphore(%run_scoped3A_80 : memref<!tpu.dma_semaphore, #tpu.memory_space<semaphore_mem>>) src(%dma_wait3A_96 : memref<96xi32, #tpu.memory_space<hbm>>) dst(%dma_wait3A_95 : memref<96xi32, #tpu.memory_space<vmem>>)
      tpu.yield
    }) : () -> ()
    %dma_start3A = arith.constant 0 : i32
    %dma_start3A_13 = arith.constant 0 : i32
    %dma_start3A_14 = arith.constant 0 : i32
    %dma_start3A_15 = tpu.memref_slice %arg8[%dma_start3A_13, %dma_start3A_14] : memref<288x128xf32, #tpu.memory_space<vmem>> -> memref<96x128xf32, #tpu.memory_space<vmem>>
    %dma_start3A_16 = arith.constant 0 : i32
    %dma_start3A_17 = tpu.memref_slice %arg7[%dma_start3A, %dma_start3A_16] : memref<3x96xi32, #tpu.memory_space<vmem>> -> memref<1x96xi32, #tpu.memory_space<vmem>>
    %dma_start3A_18 = tpu.memref_squeeze %dma_start3A_17 : memref<1x96xi32, #tpu.memory_space<vmem>> -> memref<96xi32, #tpu.memory_space<vmem>>
    %dma_start3A_19 = arith.constant 0 : i32
    %dma_start3A_20 = arith.constant 0 : i32
    %dma_start3A_21 = tpu.memref_slice %arg2[%dma_start3A_19, %dma_start3A_20] : memref<1024x128xf32, #tpu.memory_space<hbm>> -> memref<1024x128xf32, #tpu.memory_space<hbm>>
    tpu.enqueue_indirect_dma source(%dma_start3A_21 : memref<1024x128xf32, #tpu.memory_space<hbm>>) target(%dma_start3A_15 : memref<96x128xf32, #tpu.memory_space<vmem>>) offsets(%dma_start3A_18 : memref<96xi32, #tpu.memory_space<vmem>>) semaphore(%arg12 : memref<!tpu.dma_semaphore, #tpu.memory_space<semaphore_mem>>)
    %dma_start3A_22 = arith.constant 1 : i32
    %dma_start3A_23 = arith.constant 96 : i32
    %dma_start3A_24 = arith.constant 0 : i32
    %dma_start3A_25 = tpu.memref_slice %arg8[%dma_start3A_23, %dma_start3A_24] : memref<288x128xf32, #tpu.memory_space<vmem>> -> memref<96x128xf32, #tpu.memory_space<vmem>>
    %dma_start3A_26 = arith.constant 0 : i32
    %dma_start3A_27 = tpu.memref_slice %arg7[%dma_start3A_22, %dma_start3A_26] : memref<3x96xi32, #tpu.memory_space<vmem>> -> memref<1x96xi32, #tpu.memory_space<vmem>>
    %dma_start3A_28 = tpu.memref_squeeze %dma_start3A_27 : memref<1x96xi32, #tpu.memory_space<vmem>> -> memref<96xi32, #tpu.memory_space<vmem>>
    %dma_start3A_29 = arith.constant 0 : i32
    %dma_start3A_30 = arith.constant 0 : i32
    %dma_start3A_31 = tpu.memref_slice %arg2[%dma_start3A_29, %dma_start3A_30] : memref<1024x128xf32, #tpu.memory_space<hbm>> -> memref<1024x128xf32, #tpu.memory_space<hbm>>
    tpu.enqueue_indirect_dma source(%dma_start3A_31 : memref<1024x128xf32, #tpu.memory_space<hbm>>) target(%dma_start3A_25 : memref<96x128xf32, #tpu.memory_space<vmem>>) offsets(%dma_start3A_28 : memref<96xi32, #tpu.memory_space<vmem>>) semaphore(%arg12 : memref<!tpu.dma_semaphore, #tpu.memory_space<semaphore_mem>>)
    %dma_start3A_32 = arith.constant 2 : i32
    %dma_start3A_33 = arith.constant 192 : i32
    %dma_start3A_34 = arith.constant 0 : i32
    %dma_start3A_35 = tpu.memref_slice %arg8[%dma_start3A_33, %dma_start3A_34] : memref<288x128xf32, #tpu.memory_space<vmem>> -> memref<96x128xf32, #tpu.memory_space<vmem>>
    %dma_start3A_36 = arith.constant 0 : i32
    %dma_start3A_37 = tpu.memref_slice %arg7[%dma_start3A_32, %dma_start3A_36] : memref<3x96xi32, #tpu.memory_space<vmem>> -> memref<1x96xi32, #tpu.memory_space<vmem>>
    %dma_start3A_38 = tpu.memref_squeeze %dma_start3A_37 : memref<1x96xi32, #tpu.memory_space<vmem>> -> memref<96xi32, #tpu.memory_space<vmem>>
    %dma_start3A_39 = arith.constant 0 : i32
    %dma_start3A_40 = arith.constant 0 : i32
    %dma_start3A_41 = tpu.memref_slice %arg2[%dma_start3A_39, %dma_start3A_40] : memref<1024x128xf32, #tpu.memory_space<hbm>> -> memref<1024x128xf32, #tpu.memory_space<hbm>>
    tpu.enqueue_indirect_dma source(%dma_start3A_41 : memref<1024x128xf32, #tpu.memory_space<hbm>>) target(%dma_start3A_35 : memref<96x128xf32, #tpu.memory_space<vmem>>) offsets(%dma_start3A_38 : memref<96xi32, #tpu.memory_space<vmem>>) semaphore(%arg12 : memref<!tpu.dma_semaphore, #tpu.memory_space<semaphore_mem>>)
    "tpu.region"() ({
      %run_scoped3A_80 = tpu.sem_alloc : memref<!tpu.dma_semaphore, #tpu.memory_space<semaphore_mem>>
      %dma_start3A_81 = arith.constant 0 : i32
      %dma_start3A_82 = tpu.memref_slice %arg4[%add3A_4, %dma_start3A_81] : memref<18432x64xf32, #tpu.memory_space<hbm>> -> memref<288x64xf32, #tpu.memory_space<hbm>>
      %dma_start3A_83 = arith.constant 0 : i32
      %dma_start3A_84 = tpu.memref_slice %arg4[%add3A_4, %dma_start3A_83] : memref<18432x64xf32, #tpu.memory_space<hbm>> -> memref<288x64xf32, #tpu.memory_space<hbm>>
      tpu.enqueue_dma source(%dma_start3A_84 : memref<288x64xf32, #tpu.memory_space<hbm>>) target(%arg9 : memref<288x64xf32, #tpu.memory_space<vmem>>) target_semaphore(%run_scoped3A_80 : memref<!tpu.dma_semaphore, #tpu.memory_space<semaphore_mem>>)
      %dma_wait3A_85 = arith.constant 0 : i32
      %dma_wait3A_86 = tpu.memref_slice %arg4[%add3A_4, %dma_wait3A_85] : memref<18432x64xf32, #tpu.memory_space<hbm>> -> memref<288x64xf32, #tpu.memory_space<hbm>>
      %dma_wait3A_87 = arith.constant 0 : i32
      %dma_wait3A_88 = tpu.memref_slice %arg4[%add3A_4, %dma_wait3A_87] : memref<18432x64xf32, #tpu.memory_space<hbm>> -> memref<288x64xf32, #tpu.memory_space<hbm>>
      tpu.wait_dma2 semaphore(%run_scoped3A_80 : memref<!tpu.dma_semaphore, #tpu.memory_space<semaphore_mem>>) src(%dma_wait3A_88 : memref<288x64xf32, #tpu.memory_space<hbm>>) dst(%arg9 : memref<288x64xf32, #tpu.memory_space<vmem>>)
      tpu.yield
    }) : () -> ()
    %dma_wait3A = arith.constant 0 : i32
    %dma_wait3A_42 = arith.constant 0 : i32
    %dma_wait3A_43 = arith.constant 0 : i32
    %dma_wait3A_44 = tpu.memref_slice %arg8[%dma_wait3A_42, %dma_wait3A_43] : memref<288x128xf32, #tpu.memory_space<vmem>> -> memref<96x128xf32, #tpu.memory_space<vmem>>
    %dma_wait3A_45 = arith.constant 0 : i32
    %dma_wait3A_46 = tpu.memref_slice %arg7[%dma_wait3A, %dma_wait3A_45] : memref<3x96xi32, #tpu.memory_space<vmem>> -> memref<1x96xi32, #tpu.memory_space<vmem>>
    %dma_wait3A_47 = tpu.memref_squeeze %dma_wait3A_46 : memref<1x96xi32, #tpu.memory_space<vmem>> -> memref<96xi32, #tpu.memory_space<vmem>>
    %dma_wait3A_48 = arith.constant 0 : i32
    %dma_wait3A_49 = arith.constant 0 : i32
    %dma_wait3A_50 = tpu.memref_slice %arg2[%dma_wait3A_48, %dma_wait3A_49] : memref<1024x128xf32, #tpu.memory_space<hbm>> -> memref<1024x128xf32, #tpu.memory_space<hbm>>
    tpu.wait_indirect_dma semaphore(%arg12 : memref<!tpu.dma_semaphore, #tpu.memory_space<semaphore_mem>>) src(%dma_wait3A_50 : memref<1024x128xf32, #tpu.memory_space<hbm>>) dst(%dma_wait3A_44 : memref<96x128xf32, #tpu.memory_space<vmem>>)
    %dma_wait3A_51 = arith.constant 1 : i32
    %dma_wait3A_52 = arith.constant 96 : i32
    %dma_wait3A_53 = arith.constant 0 : i32
    %dma_wait3A_54 = tpu.memref_slice %arg8[%dma_wait3A_52, %dma_wait3A_53] : memref<288x128xf32, #tpu.memory_space<vmem>> -> memref<96x128xf32, #tpu.memory_space<vmem>>
    %dma_wait3A_55 = arith.constant 0 : i32
    %dma_wait3A_56 = tpu.memref_slice %arg7[%dma_wait3A_51, %dma_wait3A_55] : memref<3x96xi32, #tpu.memory_space<vmem>> -> memref<1x96xi32, #tpu.memory_space<vmem>>
    %dma_wait3A_57 = tpu.memref_squeeze %dma_wait3A_56 : memref<1x96xi32, #tpu.memory_space<vmem>> -> memref<96xi32, #tpu.memory_space<vmem>>
    %dma_wait3A_58 = arith.constant 0 : i32
    %dma_wait3A_59 = arith.constant 0 : i32
    %dma_wait3A_60 = tpu.memref_slice %arg2[%dma_wait3A_58, %dma_wait3A_59] : memref<1024x128xf32, #tpu.memory_space<hbm>> -> memref<1024x128xf32, #tpu.memory_space<hbm>>
    tpu.wait_indirect_dma semaphore(%arg12 : memref<!tpu.dma_semaphore, #tpu.memory_space<semaphore_mem>>) src(%dma_wait3A_60 : memref<1024x128xf32, #tpu.memory_space<hbm>>) dst(%dma_wait3A_54 : memref<96x128xf32, #tpu.memory_space<vmem>>)
    %dma_wait3A_61 = arith.constant 2 : i32
    %dma_wait3A_62 = arith.constant 192 : i32
    %dma_wait3A_63 = arith.constant 0 : i32
    %dma_wait3A_64 = tpu.memref_slice %arg8[%dma_wait3A_62, %dma_wait3A_63] : memref<288x128xf32, #tpu.memory_space<vmem>> -> memref<96x128xf32, #tpu.memory_space<vmem>>
    %dma_wait3A_65 = arith.constant 0 : i32
    %dma_wait3A_66 = tpu.memref_slice %arg7[%dma_wait3A_61, %dma_wait3A_65] : memref<3x96xi32, #tpu.memory_space<vmem>> -> memref<1x96xi32, #tpu.memory_space<vmem>>
    %dma_wait3A_67 = tpu.memref_squeeze %dma_wait3A_66 : memref<1x96xi32, #tpu.memory_space<vmem>> -> memref<96xi32, #tpu.memory_space<vmem>>
    %dma_wait3A_68 = arith.constant 0 : i32
    %dma_wait3A_69 = arith.constant 0 : i32
    %dma_wait3A_70 = tpu.memref_slice %arg2[%dma_wait3A_68, %dma_wait3A_69] : memref<1024x128xf32, #tpu.memory_space<hbm>> -> memref<1024x128xf32, #tpu.memory_space<hbm>>
    tpu.wait_indirect_dma semaphore(%arg12 : memref<!tpu.dma_semaphore, #tpu.memory_space<semaphore_mem>>) src(%dma_wait3A_70 : memref<1024x128xf32, #tpu.memory_space<hbm>>) dst(%dma_wait3A_64 : memref<96x128xf32, #tpu.memory_space<vmem>>)
    %broadcast_in_dim3A = arith.constant 0.000000e+00 : f32
    %broadcast_in_dim3A_71 = vector.broadcast %broadcast_in_dim3A : f32 to vector<16xf32>
    %scan3A = arith.constant 0 : i32
    %scan3A_72 = arith.constant 288 : i32
    %scan3A_73 = arith.addi %scan3A, %scan3A_72 : i32
    %scan3A_74 = arith.constant 1 : i32
    %scan3A_75 = scf.for %scan3A_80 = %scan3A to %scan3A_73 step %scan3A_74 iter_args(%scan3A_81 = %broadcast_in_dim3A_71) -> (vector<16xf32>)  : i32 {
      %get3A = arith.index_cast %scan3A_80 : i32 to index
      %get3A_82 = arith.constant 0 : index
      %get3A_83 = tpu.vector_load %arg9[%get3A, %get3A_82] {strides = array<i32>} : memref<288x64xf32, #tpu.memory_space<vmem>>, vector<1x16xf32>,
      %get3A_84 = vector.shape_cast %get3A_83 : vector<1x16xf32> to vector<16xf32>
      %get3A_85 = arith.index_cast %scan3A_80 : i32 to index
      %get3A_86 = arith.constant 0 : index
      %get3A_87 = tpu.vector_load %arg8[%get3A_85, %get3A_86] {strides = array<i32>} : memref<288x128xf32, #tpu.memory_space<vmem>>, vector<1x16xf32>,
      %get3A_88 = vector.shape_cast %get3A_87 : vector<1x16xf32> to vector<16xf32>
      %sub3A = arith.subf %get3A_88, %get3A_84 : vector<16xf32>
      %add3A_89 = arith.addf %get3A_84, %sub3A : vector<16xf32>
      %swap3A_90 = arith.index_cast %scan3A_80 : i32 to index
      %swap3A_91 = arith.constant 0 : index
      %swap3A_92 = tpu.vector_load %arg10[%swap3A_90, %swap3A_91] {strides = array<i32>} : memref<288x64xf32, #tpu.memory_space<vmem>>, vector<1x16xf32>,
      %swap3A_93 = vector.shape_cast %swap3A_92 : vector<1x16xf32> to vector<16xf32>
      %swap3A_94 = vector.shape_cast %add3A_89 : vector<16xf32> to vector<1x16xf32>
      tpu.vector_store %arg10[%swap3A_90, %swap3A_91], %swap3A_94 {strides = array<i32>} : memref<288x64xf32, #tpu.memory_space<vmem>>, vector<1x16xf32>,
      %mul3A_95 = arith.mulf %sub3A, %sub3A : vector<16xf32>
      %get3A_96 = arith.index_cast %scan3A_80 : i32 to index
      %get3A_97 = arith.constant 16 : index
      %get3A_98 = tpu.vector_load %arg9[%get3A_96, %get3A_97] {strides = array<i32>} : memref<288x64xf32, #tpu.memory_space<vmem>>, vector<1x16xf32>,
      %get3A_99 = vector.shape_cast %get3A_98 : vector<1x16xf32> to vector<16xf32>
      %get3A_100 = arith.index_cast %scan3A_80 : i32 to index
      %get3A_101 = arith.constant 16 : index
      %get3A_102 = tpu.vector_load %arg8[%get3A_100, %get3A_101] {strides = array<i32>} : memref<288x128xf32, #tpu.memory_space<vmem>>, vector<1x16xf32>,
      %get3A_103 = vector.shape_cast %get3A_102 : vector<1x16xf32> to vector<16xf32>
      %sub3A_104 = arith.subf %get3A_103, %get3A_99 : vector<16xf32>
      %add3A_105 = arith.addf %get3A_99, %sub3A_104 : vector<16xf32>
      %swap3A_106 = arith.index_cast %scan3A_80 : i32 to index
      %swap3A_107 = arith.constant 16 : index
      %swap3A_108 = tpu.vector_load %arg10[%swap3A_106, %swap3A_107] {strides = array<i32>} : memref<288x64xf32, #tpu.memory_space<vmem>>, vector<1x16xf32>,
      %swap3A_109 = vector.shape_cast %swap3A_108 : vector<1x16xf32> to vector<16xf32>
      %swap3A_110 = vector.shape_cast %add3A_105 : vector<16xf32> to vector<1x16xf32>
      tpu.vector_store %arg10[%swap3A_106, %swap3A_107], %swap3A_110 {strides = array<i32>} : memref<288x64xf32, #tpu.memory_space<vmem>>, vector<1x16xf32>,
      %mul3A_111 = arith.mulf %sub3A_104, %sub3A_104 : vector<16xf32>
      %get3A_112 = arith.index_cast %scan3A_80 : i32 to index
      %get3A_113 = arith.constant 32 : index
      %get3A_114 = tpu.vector_load %arg9[%get3A_112, %get3A_113] {strides = array<i32>} : memref<288x64xf32, #tpu.memory_space<vmem>>, vector<1x16xf32>,
      %get3A_115 = vector.shape_cast %get3A_114 : vector<1x16xf32> to vector<16xf32>
      %get3A_116 = arith.index_cast %scan3A_80 : i32 to index
      %get3A_117 = arith.constant 32 : index
      %get3A_118 = tpu.vector_load %arg8[%get3A_116, %get3A_117] {strides = array<i32>} : memref<288x128xf32, #tpu.memory_space<vmem>>, vector<1x16xf32>,
      %get3A_119 = vector.shape_cast %get3A_118 : vector<1x16xf32> to vector<16xf32>
      %sub3A_120 = arith.subf %get3A_119, %get3A_115 : vector<16xf32>
      %add3A_121 = arith.addf %get3A_115, %sub3A_120 : vector<16xf32>
      %swap3A_122 = arith.index_cast %scan3A_80 : i32 to index
      %swap3A_123 = arith.constant 32 : index
      %swap3A_124 = tpu.vector_load %arg10[%swap3A_122, %swap3A_123] {strides = array<i32>} : memref<288x64xf32, #tpu.memory_space<vmem>>, vector<1x16xf32>,
      %swap3A_125 = vector.shape_cast %swap3A_124 : vector<1x16xf32> to vector<16xf32>
      %swap3A_126 = vector.shape_cast %add3A_121 : vector<16xf32> to vector<1x16xf32>
      tpu.vector_store %arg10[%swap3A_122, %swap3A_123], %swap3A_126 {strides = array<i32>} : memref<288x64xf32, #tpu.memory_space<vmem>>, vector<1x16xf32>,
      %mul3A_127 = arith.mulf %sub3A_120, %sub3A_120 : vector<16xf32>
      %get3A_128 = arith.index_cast %scan3A_80 : i32 to index
      %get3A_129 = arith.constant 48 : index
      %get3A_130 = tpu.vector_load %arg9[%get3A_128, %get3A_129] {strides = array<i32>} : memref<288x64xf32, #tpu.memory_space<vmem>>, vector<1x16xf32>,
      %get3A_131 = vector.shape_cast %get3A_130 : vector<1x16xf32> to vector<16xf32>
      %get3A_132 = arith.index_cast %scan3A_80 : i32 to index
      %get3A_133 = arith.constant 48 : index
      %get3A_134 = tpu.vector_load %arg8[%get3A_132, %get3A_133] {strides = array<i32>} : memref<288x128xf32, #tpu.memory_space<vmem>>, vector<1x16xf32>,
      %get3A_135 = vector.shape_cast %get3A_134 : vector<1x16xf32> to vector<16xf32>
      %sub3A_136 = arith.subf %get3A_135, %get3A_131 : vector<16xf32>
      %add3A_137 = arith.addf %get3A_131, %sub3A_136 : vector<16xf32>
      %swap3A_138 = arith.index_cast %scan3A_80 : i32 to index
      %swap3A_139 = arith.constant 48 : index
      %swap3A_140 = tpu.vector_load %arg10[%swap3A_138, %swap3A_139] {strides = array<i32>} : memref<288x64xf32, #tpu.memory_space<vmem>>, vector<1x16xf32>,
      %swap3A_141 = vector.shape_cast %swap3A_140 : vector<1x16xf32> to vector<16xf32>
      %swap3A_142 = vector.shape_cast %add3A_137 : vector<16xf32> to vector<1x16xf32>
      tpu.vector_store %arg10[%swap3A_138, %swap3A_139], %swap3A_142 {strides = array<i32>} : memref<288x64xf32, #tpu.memory_space<vmem>>, vector<1x16xf32>,
      %mul3A_143 = arith.mulf %sub3A_136, %sub3A_136 : vector<16xf32>
      %add3A_144 = arith.addf %scan3A_81, %mul3A_95 : vector<16xf32>
      %add3A_145 = arith.addf %add3A_144, %mul3A_111 : vector<16xf32>
      %add3A_146 = arith.addf %add3A_145, %mul3A_127 : vector<16xf32>
      %add3A_147 = arith.addf %add3A_146, %mul3A_143 : vector<16xf32>
      scf.yield %add3A_147 : vector<16xf32>
    }
    %scan3A_76 = arith.constant 288 : i32
    %swap3A = arith.constant 0 : index
    %swap3A_77 = tpu.vector_load %arg11[%swap3A] {strides = array<i32>} : memref<16xf32, #tpu.memory_space<vmem>>, vector<16xf32>,
    %swap3A_78 = vector.shape_cast %swap3A_77 : vector<16xf32> to vector<16xf32>
    %swap3A_79 = vector.shape_cast %scan3A_75 : vector<16xf32> to vector<16xf32>
    tpu.vector_store %arg11[%swap3A], %swap3A_79 {strides = array<i32>} : memref<16xf32, #tpu.memory_space<vmem>>, vector<16xf32>,
    "tpu.region"() ({
      %run_scoped3A_80 = tpu.sem_alloc : memref<!tpu.dma_semaphore, #tpu.memory_space<semaphore_mem>>
      %dma_start3A_81 = arith.constant 0 : i32
      %dma_start3A_82 = tpu.memref_slice %arg5[%mul3A_2, %dma_start3A_81] : memref<9216x64xf32, #tpu.memory_space<hbm>> -> memref<288x64xf32, #tpu.memory_space<hbm>>
      %dma_start3A_83 = arith.constant 0 : i32
      %dma_start3A_84 = tpu.memref_slice %arg5[%mul3A_2, %dma_start3A_83] : memref<9216x64xf32, #tpu.memory_space<hbm>> -> memref<288x64xf32, #tpu.memory_space<hbm>>
      tpu.enqueue_dma source(%arg10 : memref<288x64xf32, #tpu.memory_space<vmem>>) target(%dma_start3A_84 : memref<288x64xf32, #tpu.memory_space<hbm>>) target_semaphore(%run_scoped3A_80 : memref<!tpu.dma_semaphore, #tpu.memory_space<semaphore_mem>>)
      %dma_wait3A_85 = arith.constant 0 : i32
      %dma_wait3A_86 = tpu.memref_slice %arg5[%mul3A_2, %dma_wait3A_85] : memref<9216x64xf32, #tpu.memory_space<hbm>> -> memref<288x64xf32, #tpu.memory_space<hbm>>
      %dma_wait3A_87 = arith.constant 0 : i32
      %dma_wait3A_88 = tpu.memref_slice %arg5[%mul3A_2, %dma_wait3A_87] : memref<9216x64xf32, #tpu.memory_space<hbm>> -> memref<288x64xf32, #tpu.memory_space<hbm>>
      tpu.wait_dma2 semaphore(%run_scoped3A_80 : memref<!tpu.dma_semaphore, #tpu.memory_space<semaphore_mem>>) src(%arg10 : memref<288x64xf32, #tpu.memory_space<vmem>>) dst(%dma_wait3A_88 : memref<288x64xf32, #tpu.memory_space<hbm>>)
      tpu.yield
    }) : () -> ()
    "tpu.region"() ({
      %run_scoped3A_80 = tpu.sem_alloc : memref<!tpu.dma_semaphore, #tpu.memory_space<semaphore_mem>>
      %dma_start3A_81 = arith.constant 0 : i32
      %dma_start3A_82 = tpu.memref_slice %arg6[%add3A, %dma_start3A_81] : memref<32x16xf32, #tpu.memory_space<hbm>> -> memref<1x16xf32, #tpu.memory_space<hbm>>
      %dma_start3A_83 = tpu.memref_squeeze %dma_start3A_82 : memref<1x16xf32, #tpu.memory_space<hbm>> -> memref<16xf32, #tpu.memory_space<hbm>>
      %dma_start3A_84 = arith.constant 0 : i32
      %dma_start3A_85 = tpu.memref_slice %arg6[%add3A, %dma_start3A_84] : memref<32x16xf32, #tpu.memory_space<hbm>> -> memref<1x16xf32, #tpu.memory_space<hbm>>
      %dma_start3A_86 = tpu.memref_squeeze %dma_start3A_85 : memref<1x16xf32, #tpu.memory_space<hbm>> -> memref<16xf32, #tpu.memory_space<hbm>>
      tpu.enqueue_dma source(%arg11 : memref<16xf32, #tpu.memory_space<vmem>>) target(%dma_start3A_86 : memref<16xf32, #tpu.memory_space<hbm>>) target_semaphore(%run_scoped3A_80 : memref<!tpu.dma_semaphore, #tpu.memory_space<semaphore_mem>>)
      %dma_wait3A_87 = arith.constant 0 : i32
      %dma_wait3A_88 = tpu.memref_slice %arg6[%add3A, %dma_wait3A_87] : memref<32x16xf32, #tpu.memory_space<hbm>> -> memref<1x16xf32, #tpu.memory_space<hbm>>
      %dma_wait3A_89 = tpu.memref_squeeze %dma_wait3A_88 : memref<1x16xf32, #tpu.memory_space<hbm>> -> memref<16xf32, #tpu.memory_space<hbm>>
      %dma_wait3A_90 = arith.constant 0 : i32
      %dma_wait3A_91 = tpu.memref_slice %arg6[%add3A, %dma_wait3A_90] : memref<32x16xf32, #tpu.memory_space<hbm>> -> memref<1x16xf32, #tpu.memory_space<hbm>>
      %dma_wait3A_92 = tpu.memref_squeeze %dma_wait3A_91 : memref<1x16xf32, #tpu.memory_space<hbm>> -> memref<16xf32, #tpu.memory_space<hbm>>
      tpu.wait_dma2 semaphore(%run_scoped3A_80 : memref<!tpu.dma_semaphore, #tpu.memory_space<semaphore_mem>>) src(%arg11 : memref<16xf32, #tpu.memory_space<vmem>>) dst(%dma_wait3A_92 : memref<16xf32, #tpu.memory_space<hbm>>)
      tpu.yield
    }) : () -> ()
    return
  }
}

#map = affine_map<(d0, d1) -> (0, 0)>
#map1 = affine_map<(d0, d1) -> (0)>
module attributes {stable_mosaic.version = 14 : i64} {
  func.func @_sc_body(%arg0: i32, %arg1: i32, %arg2: memref<1024x128xf32, #tpu.memory_space<hbm>>, %arg3: memref<9216xi32, #tpu.memory_space<hbm>>, %arg4: memref<18432x64xf32, #tpu.memory_space<hbm>>, %arg5: memref<9216x64xf32, #tpu.memory_space<hbm>>, %arg6: memref<32x16xf32, #tpu.memory_space<hbm>>, %arg7: memref<3x96xi32, #tpu.memory_space<vmem>>, %arg8: memref<288x128xf32, #tpu.memory_space<vmem>>, %arg9: memref<288x64xf32, #tpu.memory_space<vmem>>, %arg10: memref<288x64xf32, #tpu.memory_space<vmem>>, %arg11: memref<16xf32, #tpu.memory_space<vmem>>, %arg12: memref<!tpu.dma_semaphore, #tpu.memory_space<semaphore_mem>>) attributes {dimension_semantics = [#tpu.dimension_semantics<core_parallel>, #tpu.dimension_semantics<subcore_parallel>], iteration_bounds = array<i64: 2, 16>, scalar_prefetch = 0 : i64, scratch_operands = 6 : i64, tpu.core_type = #tpu.core_type<sc_vector_subcore>, window_params = [{transform_indices = #map}, {transform_indices = #map1}, {transform_indices = #map}, {transform_indices = #map}, {transform_indices = #map}]} {
    %mul3A = arith.constant 2 : i32
    %mul3A_0 = arith.muli %arg1, %mul3A : i32
    %add3A = arith.addi %mul3A_0, %arg0 : i32
    %mul3A_1 = arith.constant 288 : i32
    %mul3A_2 = arith.muli %add3A, %mul3A_1 : i32
    %add3A_3 = arith.constant 0 : i32
    %add3A_4 = arith.addi %add3A_3, %mul3A_2 : i32
    %add3A_5 = arith.constant 0 : i32
    %add3A_6 = arith.addi %mul3A_2, %add3A_5 : i32
    %run_scoped3A = arith.constant 0 : i32
    "tpu.region"() ({
      %run_scoped3A_80 = tpu.sem_alloc : memref<!tpu.dma_semaphore, #tpu.memory_space<semaphore_mem>>
      %dma_start3A_81 = arith.constant 0 : i32
      %dma_start3A_82 = tpu.memref_slice %arg7[%run_scoped3A, %dma_start3A_81] : memref<3x96xi32, #tpu.memory_space<vmem>> -> memref<1x96xi32, #tpu.memory_space<vmem>>
      %dma_start3A_83 = tpu.memref_squeeze %dma_start3A_82 : memref<1x96xi32, #tpu.memory_space<vmem>> -> memref<96xi32, #tpu.memory_space<vmem>>
      %dma_start3A_84 = tpu.memref_slice %arg3[%add3A_6] : memref<9216xi32, #tpu.memory_space<hbm>> -> memref<96xi32, #tpu.memory_space<hbm>>
      %dma_start3A_85 = arith.constant 0 : i32
      %dma_start3A_86 = tpu.memref_slice %arg7[%run_scoped3A, %dma_start3A_85] : memref<3x96xi32, #tpu.memory_space<vmem>> -> memref<1x96xi32, #tpu.memory_space<vmem>>
      %dma_start3A_87 = tpu.memref_squeeze %dma_start3A_86 : memref<1x96xi32, #tpu.memory_space<vmem>> -> memref<96xi32, #tpu.memory_space<vmem>>
      %dma_start3A_88 = tpu.memref_slice %arg3[%add3A_6] : memref<9216xi32, #tpu.memory_space<hbm>> -> memref<96xi32, #tpu.memory_space<hbm>>
      tpu.enqueue_dma source(%dma_start3A_88 : memref<96xi32, #tpu.memory_space<hbm>>) target(%dma_start3A_87 : memref<96xi32, #tpu.memory_space<vmem>>) target_semaphore(%run_scoped3A_80 : memref<!tpu.dma_semaphore, #tpu.memory_space<semaphore_mem>>)
      %dma_wait3A_89 = arith.constant 0 : i32
      %dma_wait3A_90 = tpu.memref_slice %arg7[%run_scoped3A, %dma_wait3A_89] : memref<3x96xi32, #tpu.memory_space<vmem>> -> memref<1x96xi32, #tpu.memory_space<vmem>>
      %dma_wait3A_91 = tpu.memref_squeeze %dma_wait3A_90 : memref<1x96xi32, #tpu.memory_space<vmem>> -> memref<96xi32, #tpu.memory_space<vmem>>
      %dma_wait3A_92 = tpu.memref_slice %arg3[%add3A_6] : memref<9216xi32, #tpu.memory_space<hbm>> -> memref<96xi32, #tpu.memory_space<hbm>>
      %dma_wait3A_93 = arith.constant 0 : i32
      %dma_wait3A_94 = tpu.memref_slice %arg7[%run_scoped3A, %dma_wait3A_93] : memref<3x96xi32, #tpu.memory_space<vmem>> -> memref<1x96xi32, #tpu.memory_space<vmem>>
      %dma_wait3A_95 = tpu.memref_squeeze %dma_wait3A_94 : memref<1x96xi32, #tpu.memory_space<vmem>> -> memref<96xi32, #tpu.memory_space<vmem>>
      %dma_wait3A_96 = tpu.memref_slice %arg3[%add3A_6] : memref<9216xi32, #tpu.memory_space<hbm>> -> memref<96xi32, #tpu.memory_space<hbm>>
      tpu.wait_dma2 semaphore(%run_scoped3A_80 : memref<!tpu.dma_semaphore, #tpu.memory_space<semaphore_mem>>) src(%dma_wait3A_96 : memref<96xi32, #tpu.memory_space<hbm>>) dst(%dma_wait3A_95 : memref<96xi32, #tpu.memory_space<vmem>>)
      tpu.yield
    }) : () -> ()
    %add3A_7 = arith.constant 96 : i32
    %add3A_8 = arith.addi %mul3A_2, %add3A_7 : i32
    %run_scoped3A_9 = arith.constant 1 : i32
    "tpu.region"() ({
      %run_scoped3A_80 = tpu.sem_alloc : memref<!tpu.dma_semaphore, #tpu.memory_space<semaphore_mem>>
      %dma_start3A_81 = arith.constant 0 : i32
      %dma_start3A_82 = tpu.memref_slice %arg7[%run_scoped3A_9, %dma_start3A_81] : memref<3x96xi32, #tpu.memory_space<vmem>> -> memref<1x96xi32, #tpu.memory_space<vmem>>
      %dma_start3A_83 = tpu.memref_squeeze %dma_start3A_82 : memref<1x96xi32, #tpu.memory_space<vmem>> -> memref<96xi32, #tpu.memory_space<vmem>>
      %dma_start3A_84 = tpu.memref_slice %arg3[%add3A_8] : memref<9216xi32, #tpu.memory_space<hbm>> -> memref<96xi32, #tpu.memory_space<hbm>>
      %dma_start3A_85 = arith.constant 0 : i32
      %dma_start3A_86 = tpu.memref_slice %arg7[%run_scoped3A_9, %dma_start3A_85] : memref<3x96xi32, #tpu.memory_space<vmem>> -> memref<1x96xi32, #tpu.memory_space<vmem>>
      %dma_start3A_87 = tpu.memref_squeeze %dma_start3A_86 : memref<1x96xi32, #tpu.memory_space<vmem>> -> memref<96xi32, #tpu.memory_space<vmem>>
      %dma_start3A_88 = tpu.memref_slice %arg3[%add3A_8] : memref<9216xi32, #tpu.memory_space<hbm>> -> memref<96xi32, #tpu.memory_space<hbm>>
      tpu.enqueue_dma source(%dma_start3A_88 : memref<96xi32, #tpu.memory_space<hbm>>) target(%dma_start3A_87 : memref<96xi32, #tpu.memory_space<vmem>>) target_semaphore(%run_scoped3A_80 : memref<!tpu.dma_semaphore, #tpu.memory_space<semaphore_mem>>)
      %dma_wait3A_89 = arith.constant 0 : i32
      %dma_wait3A_90 = tpu.memref_slice %arg7[%run_scoped3A_9, %dma_wait3A_89] : memref<3x96xi32, #tpu.memory_space<vmem>> -> memref<1x96xi32, #tpu.memory_space<vmem>>
      %dma_wait3A_91 = tpu.memref_squeeze %dma_wait3A_90 : memref<1x96xi32, #tpu.memory_space<vmem>> -> memref<96xi32, #tpu.memory_space<vmem>>
      %dma_wait3A_92 = tpu.memref_slice %arg3[%add3A_8] : memref<9216xi32, #tpu.memory_space<hbm>> -> memref<96xi32, #tpu.memory_space<hbm>>
      %dma_wait3A_93 = arith.constant 0 : i32
      %dma_wait3A_94 = tpu.memref_slice %arg7[%run_scoped3A_9, %dma_wait3A_93] : memref<3x96xi32, #tpu.memory_space<vmem>> -> memref<1x96xi32, #tpu.memory_space<vmem>>
      %dma_wait3A_95 = tpu.memref_squeeze %dma_wait3A_94 : memref<1x96xi32, #tpu.memory_space<vmem>> -> memref<96xi32, #tpu.memory_space<vmem>>
      %dma_wait3A_96 = tpu.memref_slice %arg3[%add3A_8] : memref<9216xi32, #tpu.memory_space<hbm>> -> memref<96xi32, #tpu.memory_space<hbm>>
      tpu.wait_dma2 semaphore(%run_scoped3A_80 : memref<!tpu.dma_semaphore, #tpu.memory_space<semaphore_mem>>) src(%dma_wait3A_96 : memref<96xi32, #tpu.memory_space<hbm>>) dst(%dma_wait3A_95 : memref<96xi32, #tpu.memory_space<vmem>>)
      tpu.yield
    }) : () -> ()
    %add3A_10 = arith.constant 192 : i32
    %add3A_11 = arith.addi %mul3A_2, %add3A_10 : i32
    %run_scoped3A_12 = arith.constant 2 : i32
    "tpu.region"() ({
      %run_scoped3A_80 = tpu.sem_alloc : memref<!tpu.dma_semaphore, #tpu.memory_space<semaphore_mem>>
      %dma_start3A_81 = arith.constant 0 : i32
      %dma_start3A_82 = tpu.memref_slice %arg7[%run_scoped3A_12, %dma_start3A_81] : memref<3x96xi32, #tpu.memory_space<vmem>> -> memref<1x96xi32, #tpu.memory_space<vmem>>
      %dma_start3A_83 = tpu.memref_squeeze %dma_start3A_82 : memref<1x96xi32, #tpu.memory_space<vmem>> -> memref<96xi32, #tpu.memory_space<vmem>>
      %dma_start3A_84 = tpu.memref_slice %arg3[%add3A_11] : memref<9216xi32, #tpu.memory_space<hbm>> -> memref<96xi32, #tpu.memory_space<hbm>>
      %dma_start3A_85 = arith.constant 0 : i32
      %dma_start3A_86 = tpu.memref_slice %arg7[%run_scoped3A_12, %dma_start3A_85] : memref<3x96xi32, #tpu.memory_space<vmem>> -> memref<1x96xi32, #tpu.memory_space<vmem>>
      %dma_start3A_87 = tpu.memref_squeeze %dma_start3A_86 : memref<1x96xi32, #tpu.memory_space<vmem>> -> memref<96xi32, #tpu.memory_space<vmem>>
      %dma_start3A_88 = tpu.memref_slice %arg3[%add3A_11] : memref<9216xi32, #tpu.memory_space<hbm>> -> memref<96xi32, #tpu.memory_space<hbm>>
      tpu.enqueue_dma source(%dma_start3A_88 : memref<96xi32, #tpu.memory_space<hbm>>) target(%dma_start3A_87 : memref<96xi32, #tpu.memory_space<vmem>>) target_semaphore(%run_scoped3A_80 : memref<!tpu.dma_semaphore, #tpu.memory_space<semaphore_mem>>)
      %dma_wait3A_89 = arith.constant 0 : i32
      %dma_wait3A_90 = tpu.memref_slice %arg7[%run_scoped3A_12, %dma_wait3A_89] : memref<3x96xi32, #tpu.memory_space<vmem>> -> memref<1x96xi32, #tpu.memory_space<vmem>>
      %dma_wait3A_91 = tpu.memref_squeeze %dma_wait3A_90 : memref<1x96xi32, #tpu.memory_space<vmem>> -> memref<96xi32, #tpu.memory_space<vmem>>
      %dma_wait3A_92 = tpu.memref_slice %arg3[%add3A_11] : memref<9216xi32, #tpu.memory_space<hbm>> -> memref<96xi32, #tpu.memory_space<hbm>>
      %dma_wait3A_93 = arith.constant 0 : i32
      %dma_wait3A_94 = tpu.memref_slice %arg7[%run_scoped3A_12, %dma_wait3A_93] : memref<3x96xi32, #tpu.memory_space<vmem>> -> memref<1x96xi32, #tpu.memory_space<vmem>>
      %dma_wait3A_95 = tpu.memref_squeeze %dma_wait3A_94 : memref<1x96xi32, #tpu.memory_space<vmem>> -> memref<96xi32, #tpu.memory_space<vmem>>
      %dma_wait3A_96 = tpu.memref_slice %arg3[%add3A_11] : memref<9216xi32, #tpu.memory_space<hbm>> -> memref<96xi32, #tpu.memory_space<hbm>>
      tpu.wait_dma2 semaphore(%run_scoped3A_80 : memref<!tpu.dma_semaphore, #tpu.memory_space<semaphore_mem>>) src(%dma_wait3A_96 : memref<96xi32, #tpu.memory_space<hbm>>) dst(%dma_wait3A_95 : memref<96xi32, #tpu.memory_space<vmem>>)
      tpu.yield
    }) : () -> ()
    %dma_start3A = arith.constant 0 : i32
    %dma_start3A_13 = arith.constant 0 : i32
    %dma_start3A_14 = arith.constant 0 : i32
    %dma_start3A_15 = tpu.memref_slice %arg8[%dma_start3A_13, %dma_start3A_14] : memref<288x128xf32, #tpu.memory_space<vmem>> -> memref<96x128xf32, #tpu.memory_space<vmem>>
    %dma_start3A_16 = arith.constant 0 : i32
    %dma_start3A_17 = tpu.memref_slice %arg7[%dma_start3A, %dma_start3A_16] : memref<3x96xi32, #tpu.memory_space<vmem>> -> memref<1x96xi32, #tpu.memory_space<vmem>>
    %dma_start3A_18 = tpu.memref_squeeze %dma_start3A_17 : memref<1x96xi32, #tpu.memory_space<vmem>> -> memref<96xi32, #tpu.memory_space<vmem>>
    %dma_start3A_19 = arith.constant 0 : i32
    %dma_start3A_20 = arith.constant 0 : i32
    %dma_start3A_21 = tpu.memref_slice %arg2[%dma_start3A_19, %dma_start3A_20] : memref<1024x128xf32, #tpu.memory_space<hbm>> -> memref<1024x128xf32, #tpu.memory_space<hbm>>
    tpu.enqueue_indirect_dma source(%dma_start3A_21 : memref<1024x128xf32, #tpu.memory_space<hbm>>) target(%dma_start3A_15 : memref<96x128xf32, #tpu.memory_space<vmem>>) offsets(%dma_start3A_18 : memref<96xi32, #tpu.memory_space<vmem>>) semaphore(%arg12 : memref<!tpu.dma_semaphore, #tpu.memory_space<semaphore_mem>>)
    %dma_start3A_22 = arith.constant 1 : i32
    %dma_start3A_23 = arith.constant 96 : i32
    %dma_start3A_24 = arith.constant 0 : i32
    %dma_start3A_25 = tpu.memref_slice %arg8[%dma_start3A_23, %dma_start3A_24] : memref<288x128xf32, #tpu.memory_space<vmem>> -> memref<96x128xf32, #tpu.memory_space<vmem>>
    %dma_start3A_26 = arith.constant 0 : i32
    %dma_start3A_27 = tpu.memref_slice %arg7[%dma_start3A_22, %dma_start3A_26] : memref<3x96xi32, #tpu.memory_space<vmem>> -> memref<1x96xi32, #tpu.memory_space<vmem>>
    %dma_start3A_28 = tpu.memref_squeeze %dma_start3A_27 : memref<1x96xi32, #tpu.memory_space<vmem>> -> memref<96xi32, #tpu.memory_space<vmem>>
    %dma_start3A_29 = arith.constant 0 : i32
    %dma_start3A_30 = arith.constant 0 : i32
    %dma_start3A_31 = tpu.memref_slice %arg2[%dma_start3A_29, %dma_start3A_30] : memref<1024x128xf32, #tpu.memory_space<hbm>> -> memref<1024x128xf32, #tpu.memory_space<hbm>>
    tpu.enqueue_indirect_dma source(%dma_start3A_31 : memref<1024x128xf32, #tpu.memory_space<hbm>>) target(%dma_start3A_25 : memref<96x128xf32, #tpu.memory_space<vmem>>) offsets(%dma_start3A_28 : memref<96xi32, #tpu.memory_space<vmem>>) semaphore(%arg12 : memref<!tpu.dma_semaphore, #tpu.memory_space<semaphore_mem>>)
    %dma_start3A_32 = arith.constant 2 : i32
    %dma_start3A_33 = arith.constant 192 : i32
    %dma_start3A_34 = arith.constant 0 : i32
    %dma_start3A_35 = tpu.memref_slice %arg8[%dma_start3A_33, %dma_start3A_34] : memref<288x128xf32, #tpu.memory_space<vmem>> -> memref<96x128xf32, #tpu.memory_space<vmem>>
    %dma_start3A_36 = arith.constant 0 : i32
    %dma_start3A_37 = tpu.memref_slice %arg7[%dma_start3A_32, %dma_start3A_36] : memref<3x96xi32, #tpu.memory_space<vmem>> -> memref<1x96xi32, #tpu.memory_space<vmem>>
    %dma_start3A_38 = tpu.memref_squeeze %dma_start3A_37 : memref<1x96xi32, #tpu.memory_space<vmem>> -> memref<96xi32, #tpu.memory_space<vmem>>
    %dma_start3A_39 = arith.constant 0 : i32
    %dma_start3A_40 = arith.constant 0 : i32
    %dma_start3A_41 = tpu.memref_slice %arg2[%dma_start3A_39, %dma_start3A_40] : memref<1024x128xf32, #tpu.memory_space<hbm>> -> memref<1024x128xf32, #tpu.memory_space<hbm>>
    tpu.enqueue_indirect_dma source(%dma_start3A_41 : memref<1024x128xf32, #tpu.memory_space<hbm>>) target(%dma_start3A_35 : memref<96x128xf32, #tpu.memory_space<vmem>>) offsets(%dma_start3A_38 : memref<96xi32, #tpu.memory_space<vmem>>) semaphore(%arg12 : memref<!tpu.dma_semaphore, #tpu.memory_space<semaphore_mem>>)
    "tpu.region"() ({
      %run_scoped3A_80 = tpu.sem_alloc : memref<!tpu.dma_semaphore, #tpu.memory_space<semaphore_mem>>
      %dma_start3A_81 = arith.constant 0 : i32
      %dma_start3A_82 = tpu.memref_slice %arg4[%add3A_4, %dma_start3A_81] : memref<18432x64xf32, #tpu.memory_space<hbm>> -> memref<288x64xf32, #tpu.memory_space<hbm>>
      %dma_start3A_83 = arith.constant 0 : i32
      %dma_start3A_84 = tpu.memref_slice %arg4[%add3A_4, %dma_start3A_83] : memref<18432x64xf32, #tpu.memory_space<hbm>> -> memref<288x64xf32, #tpu.memory_space<hbm>>
      tpu.enqueue_dma source(%dma_start3A_84 : memref<288x64xf32, #tpu.memory_space<hbm>>) target(%arg9 : memref<288x64xf32, #tpu.memory_space<vmem>>) target_semaphore(%run_scoped3A_80 : memref<!tpu.dma_semaphore, #tpu.memory_space<semaphore_mem>>)
      %dma_wait3A_85 = arith.constant 0 : i32
      %dma_wait3A_86 = tpu.memref_slice %arg4[%add3A_4, %dma_wait3A_85] : memref<18432x64xf32, #tpu.memory_space<hbm>> -> memref<288x64xf32, #tpu.memory_space<hbm>>
      %dma_wait3A_87 = arith.constant 0 : i32
      %dma_wait3A_88 = tpu.memref_slice %arg4[%add3A_4, %dma_wait3A_87] : memref<18432x64xf32, #tpu.memory_space<hbm>> -> memref<288x64xf32, #tpu.memory_space<hbm>>
      tpu.wait_dma2 semaphore(%run_scoped3A_80 : memref<!tpu.dma_semaphore, #tpu.memory_space<semaphore_mem>>) src(%dma_wait3A_88 : memref<288x64xf32, #tpu.memory_space<hbm>>) dst(%arg9 : memref<288x64xf32, #tpu.memory_space<vmem>>)
      tpu.yield
    }) : () -> ()
    %dma_wait3A = arith.constant 0 : i32
    %dma_wait3A_42 = arith.constant 0 : i32
    %dma_wait3A_43 = arith.constant 0 : i32
    %dma_wait3A_44 = tpu.memref_slice %arg8[%dma_wait3A_42, %dma_wait3A_43] : memref<288x128xf32, #tpu.memory_space<vmem>> -> memref<96x128xf32, #tpu.memory_space<vmem>>
    %dma_wait3A_45 = arith.constant 0 : i32
    %dma_wait3A_46 = tpu.memref_slice %arg7[%dma_wait3A, %dma_wait3A_45] : memref<3x96xi32, #tpu.memory_space<vmem>> -> memref<1x96xi32, #tpu.memory_space<vmem>>
    %dma_wait3A_47 = tpu.memref_squeeze %dma_wait3A_46 : memref<1x96xi32, #tpu.memory_space<vmem>> -> memref<96xi32, #tpu.memory_space<vmem>>
    %dma_wait3A_48 = arith.constant 0 : i32
    %dma_wait3A_49 = arith.constant 0 : i32
    %dma_wait3A_50 = tpu.memref_slice %arg2[%dma_wait3A_48, %dma_wait3A_49] : memref<1024x128xf32, #tpu.memory_space<hbm>> -> memref<1024x128xf32, #tpu.memory_space<hbm>>
    tpu.wait_indirect_dma semaphore(%arg12 : memref<!tpu.dma_semaphore, #tpu.memory_space<semaphore_mem>>) src(%dma_wait3A_50 : memref<1024x128xf32, #tpu.memory_space<hbm>>) dst(%dma_wait3A_44 : memref<96x128xf32, #tpu.memory_space<vmem>>)
    %dma_wait3A_51 = arith.constant 1 : i32
    %dma_wait3A_52 = arith.constant 96 : i32
    %dma_wait3A_53 = arith.constant 0 : i32
    %dma_wait3A_54 = tpu.memref_slice %arg8[%dma_wait3A_52, %dma_wait3A_53] : memref<288x128xf32, #tpu.memory_space<vmem>> -> memref<96x128xf32, #tpu.memory_space<vmem>>
    %dma_wait3A_55 = arith.constant 0 : i32
    %dma_wait3A_56 = tpu.memref_slice %arg7[%dma_wait3A_51, %dma_wait3A_55] : memref<3x96xi32, #tpu.memory_space<vmem>> -> memref<1x96xi32, #tpu.memory_space<vmem>>
    %dma_wait3A_57 = tpu.memref_squeeze %dma_wait3A_56 : memref<1x96xi32, #tpu.memory_space<vmem>> -> memref<96xi32, #tpu.memory_space<vmem>>
    %dma_wait3A_58 = arith.constant 0 : i32
    %dma_wait3A_59 = arith.constant 0 : i32
    %dma_wait3A_60 = tpu.memref_slice %arg2[%dma_wait3A_58, %dma_wait3A_59] : memref<1024x128xf32, #tpu.memory_space<hbm>> -> memref<1024x128xf32, #tpu.memory_space<hbm>>
    tpu.wait_indirect_dma semaphore(%arg12 : memref<!tpu.dma_semaphore, #tpu.memory_space<semaphore_mem>>) src(%dma_wait3A_60 : memref<1024x128xf32, #tpu.memory_space<hbm>>) dst(%dma_wait3A_54 : memref<96x128xf32, #tpu.memory_space<vmem>>)
    %dma_wait3A_61 = arith.constant 2 : i32
    %dma_wait3A_62 = arith.constant 192 : i32
    %dma_wait3A_63 = arith.constant 0 : i32
    %dma_wait3A_64 = tpu.memref_slice %arg8[%dma_wait3A_62, %dma_wait3A_63] : memref<288x128xf32, #tpu.memory_space<vmem>> -> memref<96x128xf32, #tpu.memory_space<vmem>>
    %dma_wait3A_65 = arith.constant 0 : i32
    %dma_wait3A_66 = tpu.memref_slice %arg7[%dma_wait3A_61, %dma_wait3A_65] : memref<3x96xi32, #tpu.memory_space<vmem>> -> memref<1x96xi32, #tpu.memory_space<vmem>>
    %dma_wait3A_67 = tpu.memref_squeeze %dma_wait3A_66 : memref<1x96xi32, #tpu.memory_space<vmem>> -> memref<96xi32, #tpu.memory_space<vmem>>
    %dma_wait3A_68 = arith.constant 0 : i32
    %dma_wait3A_69 = arith.constant 0 : i32
    %dma_wait3A_70 = tpu.memref_slice %arg2[%dma_wait3A_68, %dma_wait3A_69] : memref<1024x128xf32, #tpu.memory_space<hbm>> -> memref<1024x128xf32, #tpu.memory_space<hbm>>
    tpu.wait_indirect_dma semaphore(%arg12 : memref<!tpu.dma_semaphore, #tpu.memory_space<semaphore_mem>>) src(%dma_wait3A_70 : memref<1024x128xf32, #tpu.memory_space<hbm>>) dst(%dma_wait3A_64 : memref<96x128xf32, #tpu.memory_space<vmem>>)
    %broadcast_in_dim3A = arith.constant 0.000000e+00 : f32
    %broadcast_in_dim3A_71 = vector.broadcast %broadcast_in_dim3A : f32 to vector<16xf32>
    %scan3A = arith.constant 0 : i32
    %scan3A_72 = arith.constant 288 : i32
    %scan3A_73 = arith.addi %scan3A, %scan3A_72 : i32
    %scan3A_74 = arith.constant 1 : i32
    %scan3A_75 = scf.for %scan3A_80 = %scan3A to %scan3A_73 step %scan3A_74 iter_args(%scan3A_81 = %broadcast_in_dim3A_71) -> (vector<16xf32>)  : i32 {
      %get3A = arith.index_cast %scan3A_80 : i32 to index
      %get3A_82 = arith.constant 0 : index
      %get3A_83 = tpu.vector_load %arg9[%get3A, %get3A_82] {strides = array<i32>} : memref<288x64xf32, #tpu.memory_space<vmem>>, vector<1x16xf32>,
      %get3A_84 = vector.shape_cast %get3A_83 : vector<1x16xf32> to vector<16xf32>
      %get3A_85 = arith.index_cast %scan3A_80 : i32 to index
      %get3A_86 = arith.constant 0 : index
      %get3A_87 = tpu.vector_load %arg8[%get3A_85, %get3A_86] {strides = array<i32>} : memref<288x128xf32, #tpu.memory_space<vmem>>, vector<1x16xf32>,
      %get3A_88 = vector.shape_cast %get3A_87 : vector<1x16xf32> to vector<16xf32>
      %sub3A = arith.subf %get3A_88, %get3A_84 : vector<16xf32>
      %add3A_89 = arith.addf %get3A_84, %sub3A : vector<16xf32>
      %swap3A_90 = arith.index_cast %scan3A_80 : i32 to index
      %swap3A_91 = arith.constant 0 : index
      %swap3A_92 = tpu.vector_load %arg10[%swap3A_90, %swap3A_91] {strides = array<i32>} : memref<288x64xf32, #tpu.memory_space<vmem>>, vector<1x16xf32>,
      %swap3A_93 = vector.shape_cast %swap3A_92 : vector<1x16xf32> to vector<16xf32>
      %swap3A_94 = vector.shape_cast %add3A_89 : vector<16xf32> to vector<1x16xf32>
      tpu.vector_store %arg10[%swap3A_90, %swap3A_91], %swap3A_94 {strides = array<i32>} : memref<288x64xf32, #tpu.memory_space<vmem>>, vector<1x16xf32>,
      %mul3A_95 = arith.mulf %sub3A, %sub3A : vector<16xf32>
      %get3A_96 = arith.index_cast %scan3A_80 : i32 to index
      %get3A_97 = arith.constant 16 : index
      %get3A_98 = tpu.vector_load %arg9[%get3A_96, %get3A_97] {strides = array<i32>} : memref<288x64xf32, #tpu.memory_space<vmem>>, vector<1x16xf32>,
      %get3A_99 = vector.shape_cast %get3A_98 : vector<1x16xf32> to vector<16xf32>
      %get3A_100 = arith.index_cast %scan3A_80 : i32 to index
      %get3A_101 = arith.constant 16 : index
      %get3A_102 = tpu.vector_load %arg8[%get3A_100, %get3A_101] {strides = array<i32>} : memref<288x128xf32, #tpu.memory_space<vmem>>, vector<1x16xf32>,
      %get3A_103 = vector.shape_cast %get3A_102 : vector<1x16xf32> to vector<16xf32>
      %sub3A_104 = arith.subf %get3A_103, %get3A_99 : vector<16xf32>
      %add3A_105 = arith.addf %get3A_99, %sub3A_104 : vector<16xf32>
      %swap3A_106 = arith.index_cast %scan3A_80 : i32 to index
      %swap3A_107 = arith.constant 16 : index
      %swap3A_108 = tpu.vector_load %arg10[%swap3A_106, %swap3A_107] {strides = array<i32>} : memref<288x64xf32, #tpu.memory_space<vmem>>, vector<1x16xf32>,
      %swap3A_109 = vector.shape_cast %swap3A_108 : vector<1x16xf32> to vector<16xf32>
      %swap3A_110 = vector.shape_cast %add3A_105 : vector<16xf32> to vector<1x16xf32>
      tpu.vector_store %arg10[%swap3A_106, %swap3A_107], %swap3A_110 {strides = array<i32>} : memref<288x64xf32, #tpu.memory_space<vmem>>, vector<1x16xf32>,
      %mul3A_111 = arith.mulf %sub3A_104, %sub3A_104 : vector<16xf32>
      %get3A_112 = arith.index_cast %scan3A_80 : i32 to index
      %get3A_113 = arith.constant 32 : index
      %get3A_114 = tpu.vector_load %arg9[%get3A_112, %get3A_113] {strides = array<i32>} : memref<288x64xf32, #tpu.memory_space<vmem>>, vector<1x16xf32>,
      %get3A_115 = vector.shape_cast %get3A_114 : vector<1x16xf32> to vector<16xf32>
      %get3A_116 = arith.index_cast %scan3A_80 : i32 to index
      %get3A_117 = arith.constant 32 : index
      %get3A_118 = tpu.vector_load %arg8[%get3A_116, %get3A_117] {strides = array<i32>} : memref<288x128xf32, #tpu.memory_space<vmem>>, vector<1x16xf32>,
      %get3A_119 = vector.shape_cast %get3A_118 : vector<1x16xf32> to vector<16xf32>
      %sub3A_120 = arith.subf %get3A_119, %get3A_115 : vector<16xf32>
      %add3A_121 = arith.addf %get3A_115, %sub3A_120 : vector<16xf32>
      %swap3A_122 = arith.index_cast %scan3A_80 : i32 to index
      %swap3A_123 = arith.constant 32 : index
      %swap3A_124 = tpu.vector_load %arg10[%swap3A_122, %swap3A_123] {strides = array<i32>} : memref<288x64xf32, #tpu.memory_space<vmem>>, vector<1x16xf32>,
      %swap3A_125 = vector.shape_cast %swap3A_124 : vector<1x16xf32> to vector<16xf32>
      %swap3A_126 = vector.shape_cast %add3A_121 : vector<16xf32> to vector<1x16xf32>
      tpu.vector_store %arg10[%swap3A_122, %swap3A_123], %swap3A_126 {strides = array<i32>} : memref<288x64xf32, #tpu.memory_space<vmem>>, vector<1x16xf32>,
      %mul3A_127 = arith.mulf %sub3A_120, %sub3A_120 : vector<16xf32>
      %get3A_128 = arith.index_cast %scan3A_80 : i32 to index
      %get3A_129 = arith.constant 48 : index
      %get3A_130 = tpu.vector_load %arg9[%get3A_128, %get3A_129] {strides = array<i32>} : memref<288x64xf32, #tpu.memory_space<vmem>>, vector<1x16xf32>,
      %get3A_131 = vector.shape_cast %get3A_130 : vector<1x16xf32> to vector<16xf32>
      %get3A_132 = arith.index_cast %scan3A_80 : i32 to index
      %get3A_133 = arith.constant 48 : index
      %get3A_134 = tpu.vector_load %arg8[%get3A_132, %get3A_133] {strides = array<i32>} : memref<288x128xf32, #tpu.memory_space<vmem>>, vector<1x16xf32>,
      %get3A_135 = vector.shape_cast %get3A_134 : vector<1x16xf32> to vector<16xf32>
      %sub3A_136 = arith.subf %get3A_135, %get3A_131 : vector<16xf32>
      %add3A_137 = arith.addf %get3A_131, %sub3A_136 : vector<16xf32>
      %swap3A_138 = arith.index_cast %scan3A_80 : i32 to index
      %swap3A_139 = arith.constant 48 : index
      %swap3A_140 = tpu.vector_load %arg10[%swap3A_138, %swap3A_139] {strides = array<i32>} : memref<288x64xf32, #tpu.memory_space<vmem>>, vector<1x16xf32>,
      %swap3A_141 = vector.shape_cast %swap3A_140 : vector<1x16xf32> to vector<16xf32>
      %swap3A_142 = vector.shape_cast %add3A_137 : vector<16xf32> to vector<1x16xf32>
      tpu.vector_store %arg10[%swap3A_138, %swap3A_139], %swap3A_142 {strides = array<i32>} : memref<288x64xf32, #tpu.memory_space<vmem>>, vector<1x16xf32>,
      %mul3A_143 = arith.mulf %sub3A_136, %sub3A_136 : vector<16xf32>
      %add3A_144 = arith.addf %scan3A_81, %mul3A_95 : vector<16xf32>
      %add3A_145 = arith.addf %add3A_144, %mul3A_111 : vector<16xf32>
      %add3A_146 = arith.addf %add3A_145, %mul3A_127 : vector<16xf32>
      %add3A_147 = arith.addf %add3A_146, %mul3A_143 : vector<16xf32>
      scf.yield %add3A_147 : vector<16xf32>
    }
    %scan3A_76 = arith.constant 288 : i32
    %swap3A = arith.constant 0 : index
    %swap3A_77 = tpu.vector_load %arg11[%swap3A] {strides = array<i32>} : memref<16xf32, #tpu.memory_space<vmem>>, vector<16xf32>,
    %swap3A_78 = vector.shape_cast %swap3A_77 : vector<16xf32> to vector<16xf32>
    %swap3A_79 = vector.shape_cast %scan3A_75 : vector<16xf32> to vector<16xf32>
    tpu.vector_store %arg11[%swap3A], %swap3A_79 {strides = array<i32>} : memref<16xf32, #tpu.memory_space<vmem>>, vector<16xf32>,
    "tpu.region"() ({
      %run_scoped3A_80 = tpu.sem_alloc : memref<!tpu.dma_semaphore, #tpu.memory_space<semaphore_mem>>
      %dma_start3A_81 = arith.constant 0 : i32
      %dma_start3A_82 = tpu.memref_slice %arg5[%mul3A_2, %dma_start3A_81] : memref<9216x64xf32, #tpu.memory_space<hbm>> -> memref<288x64xf32, #tpu.memory_space<hbm>>
      %dma_start3A_83 = arith.constant 0 : i32
      %dma_start3A_84 = tpu.memref_slice %arg5[%mul3A_2, %dma_start3A_83] : memref<9216x64xf32, #tpu.memory_space<hbm>> -> memref<288x64xf32, #tpu.memory_space<hbm>>
      tpu.enqueue_dma source(%arg10 : memref<288x64xf32, #tpu.memory_space<vmem>>) target(%dma_start3A_84 : memref<288x64xf32, #tpu.memory_space<hbm>>) target_semaphore(%run_scoped3A_80 : memref<!tpu.dma_semaphore, #tpu.memory_space<semaphore_mem>>)
      %dma_wait3A_85 = arith.constant 0 : i32
      %dma_wait3A_86 = tpu.memref_slice %arg5[%mul3A_2, %dma_wait3A_85] : memref<9216x64xf32, #tpu.memory_space<hbm>> -> memref<288x64xf32, #tpu.memory_space<hbm>>
      %dma_wait3A_87 = arith.constant 0 : i32
      %dma_wait3A_88 = tpu.memref_slice %arg5[%mul3A_2, %dma_wait3A_87] : memref<9216x64xf32, #tpu.memory_space<hbm>> -> memref<288x64xf32, #tpu.memory_space<hbm>>
      tpu.wait_dma2 semaphore(%run_scoped3A_80 : memref<!tpu.dma_semaphore, #tpu.memory_space<semaphore_mem>>) src(%arg10 : memref<288x64xf32, #tpu.memory_space<vmem>>) dst(%dma_wait3A_88 : memref<288x64xf32, #tpu.memory_space<hbm>>)
      tpu.yield
    }) : () -> ()
    "tpu.region"() ({
      %run_scoped3A_80 = tpu.sem_alloc : memref<!tpu.dma_semaphore, #tpu.memory_space<semaphore_mem>>
      %dma_start3A_81 = arith.constant 0 : i32
      %dma_start3A_82 = tpu.memref_slice %arg6[%add3A, %dma_start3A_81] : memref<32x16xf32, #tpu.memory_space<hbm>> -> memref<1x16xf32, #tpu.memory_space<hbm>>
      %dma_start3A_83 = tpu.memref_squeeze %dma_start3A_82 : memref<1x16xf32, #tpu.memory_space<hbm>> -> memref<16xf32, #tpu.memory_space<hbm>>
      %dma_start3A_84 = arith.constant 0 : i32
      %dma_start3A_85 = tpu.memref_slice %arg6[%add3A, %dma_start3A_84] : memref<32x16xf32, #tpu.memory_space<hbm>> -> memref<1x16xf32, #tpu.memory_space<hbm>>
      %dma_start3A_86 = tpu.memref_squeeze %dma_start3A_85 : memref<1x16xf32, #tpu.memory_space<hbm>> -> memref<16xf32, #tpu.memory_space<hbm>>
      tpu.enqueue_dma source(%arg11 : memref<16xf32, #tpu.memory_space<vmem>>) target(%dma_start3A_86 : memref<16xf32, #tpu.memory_space<hbm>>) target_semaphore(%run_scoped3A_80 : memref<!tpu.dma_semaphore, #tpu.memory_space<semaphore_mem>>)
      %dma_wait3A_87 = arith.constant 0 : i32
      %dma_wait3A_88 = tpu.memref_slice %arg6[%add3A, %dma_wait3A_87] : memref<32x16xf32, #tpu.memory_space<hbm>> -> memref<1x16xf32, #tpu.memory_space<hbm>>
      %dma_wait3A_89 = tpu.memref_squeeze %dma_wait3A_88 : memref<1x16xf32, #tpu.memory_space<hbm>> -> memref<16xf32, #tpu.memory_space<hbm>>
      %dma_wait3A_90 = arith.constant 0 : i32
      %dma_wait3A_91 = tpu.memref_slice %arg6[%add3A, %dma_wait3A_90] : memref<32x16xf32, #tpu.memory_space<hbm>> -> memref<1x16xf32, #tpu.memory_space<hbm>>
      %dma_wait3A_92 = tpu.memref_squeeze %dma_wait3A_91 : memref<1x16xf32, #tpu.memory_space<hbm>> -> memref<16xf32, #tpu.memory_space<hbm>>
      tpu.wait_dma2 semaphore(%run_scoped3A_80 : memref<!tpu.dma_semaphore, #tpu.memory_space<semaphore_mem>>) src(%arg11 : memref<16xf32, #tpu.memory_space<vmem>>) dst(%dma_wait3A_92 : memref<16xf32, #tpu.memory_space<hbm>>)
      tpu.yield
    }) : () -> ()
    return
  }
}

module attributes {stable_mosaic.version = 14 : i64} {
  func.func @body(%arg0: i32, %arg1: memref<1024x64xf32, #tpu.memory_space<vmem>>, %arg2: memref<1024x64xf32, #tpu.memory_space<vmem>>, %arg3: memref<1x1024xf32, #tpu.memory_space<vmem>>, %arg4: memref<1024x1024xf32, #tpu.memory_space<vmem>>, %arg5: memref<1024x1xf32, #tpu.memory_space<vmem>>, %arg6: memref<1x1024xf32, #tpu.memory_space<vmem>>, %arg7: memref<1x1xf32, #tpu.memory_space<vmem>>, %arg8: memref<1x1024xf32, #tpu.memory_space<vmem>>, %arg9: memref<1x1024xf32, #tpu.memory_space<vmem>>, %arg10: memref<1x1024xf32, #tpu.memory_space<vmem>>) attributes {dimension_semantics = [#tpu.dimension_semantics<arbitrary>], iteration_bounds = array<i64: 9>, scalar_prefetch = 0 : i64, scratch_operands = 3 : i64, tpu.core_type = #tpu.core_type<tc>, window_params = [{transform_indices = @transform_0, window_bounds = array<i64: 1024, 64>}, {pipeline_mode = #tpu.pipeline_mode<synchronous>, transform_indices = @transform_1, window_bounds = array<i64: 1024, 64>}, {pipeline_mode = #tpu.pipeline_mode<synchronous>, transform_indices = @transform_2, window_bounds = array<i64: 1, 1024>}, {transform_indices = @transform_3, window_bounds = array<i64: 1024, 1024>}, {transform_indices = @transform_4, window_bounds = array<i64: 1024, 1>}, {pipeline_mode = #tpu.pipeline_mode<synchronous>, transform_indices = @transform_5, window_bounds = array<i64: 1, 1024>}, {pipeline_mode = #tpu.pipeline_mode<synchronous>, transform_indices = @transform_6, window_bounds = array<i64: 1, 1>}]} {
    %get3A = arith.constant 0 : index
    %get3A_0 = arith.constant 0 : index
    %get3A_1 = vector.load %arg1[%get3A, %get3A_0] : memref<1024x64xf32, #tpu.memory_space<vmem>>, vector<1024x64xf32>
    %get3A_2 = arith.constant 0 : index
    %get3A_3 = arith.constant 0 : index
    %get3A_4 = vector.load %arg2[%get3A_2, %get3A_3] : memref<1024x64xf32, #tpu.memory_space<vmem>>, vector<1024x64xf32>
    %eq3A = arith.constant 0 : i32
    %eq3A_5 = arith.cmpi eq, %arg0, %eq3A : i32
    %convert_element_type3A = arith.extui %eq3A_5 : i1 to i32
    %cond3A = arith.constant 0 : i32
    %cond3A_6 = arith.cmpi ne, %convert_element_type3A, %cond3A : i32
    scf.if %cond3A_6 {
      %mul3A_54 = arith.mulf %get3A_4, %get3A_4 : vector<1024x64xf32>
      %reduce_sum3A_55 = arith.constant dense<0.000000e+00> : vector<1024xf32>
      %reduce_sum3A_56 = vector.multi_reduction <add>, %mul3A_54, %reduce_sum3A_55 [1] : vector<1024x64xf32> to vector<1024xf32>
      %reshape3A = vector.shape_cast %reduce_sum3A_56 : vector<1024xf32> to vector<1x1024xf32>
      %swap3A_57 = arith.constant 0 : index
      %swap3A_58 = arith.constant 0 : index
      %swap3A_59 = vector.load %arg8[%swap3A_57, %swap3A_58] : memref<1x1024xf32, #tpu.memory_space<vmem>>, vector<1x1024xf32>
      tpu.vector_store %arg8[%swap3A_57, %swap3A_58], %reshape3A {strides = array<i32>} : memref<1x1024xf32, #tpu.memory_space<vmem>>, vector<1x1024xf32>,
      %iota3A = tpu.iota {dimensions = array<i32: 1>} : vector<1x1024xi32>
      %convert_element_type3A_60 = arith.sitofp %iota3A : vector<1x1024xi32> to vector<1x1024xf32>
      %swap3A_61 = arith.constant 0 : index
      %swap3A_62 = arith.constant 0 : index
      %swap3A_63 = vector.load %arg9[%swap3A_61, %swap3A_62] : memref<1x1024xf32, #tpu.memory_space<vmem>>, vector<1x1024xf32>
      tpu.vector_store %arg9[%swap3A_61, %swap3A_62], %convert_element_type3A_60 {strides = array<i32>} : memref<1x1024xf32, #tpu.memory_space<vmem>>, vector<1x1024xf32>,
      %get3A_64 = arith.constant 0 : index
      %get3A_65 = arith.constant 0 : index
      %get3A_66 = vector.load %arg3[%get3A_64, %get3A_65] : memref<1x1024xf32, #tpu.memory_space<vmem>>, vector<1x1024xf32>
      %swap3A_67 = arith.constant 0 : index
      %swap3A_68 = arith.constant 0 : index
      %swap3A_69 = vector.load %arg10[%swap3A_67, %swap3A_68] : memref<1x1024xf32, #tpu.memory_space<vmem>>, vector<1x1024xf32>
      tpu.vector_store %arg10[%swap3A_67, %swap3A_68], %get3A_66 {strides = array<i32>} : memref<1x1024xf32, #tpu.memory_space<vmem>>, vector<1x1024xf32>,
    } else {
    }
    %mul3A = arith.mulf %get3A_1, %get3A_1 : vector<1024x64xf32>
    %reduce_sum3A = arith.constant dense<0.000000e+00> : vector<1024xf32>
    %reduce_sum3A_7 = vector.multi_reduction <add>, %mul3A, %reduce_sum3A [1] : vector<1024x64xf32> to vector<1024xf32>
    %broadcast_in_dim3A = vector.shape_cast %reduce_sum3A_7 : vector<1024xf32> to vector<1024x1xf32>
    %add3A = arith.addf %get3A_1, %get3A_1 : vector<1024x64xf32>
    %dot_general3A = arith.constant dense<0.000000e+00> : vector<1024x1024xf32>
    %dot_general3A_8 = tpu.matmul %add3A, %get3A_4, %dot_general3A {dimension_numbers = #tpu.dot_dimension_numbers<[1], [1], [0], [0], [0, 0, 1, 0], [], []>, transpose_lhs_hint = false} : vector<1024x64xf32>, vector<1024x64xf32>, vector<1024x1024xf32> -> vector<1024x1024xf32>
    %get3A_9 = arith.constant 0 : index
    %get3A_10 = arith.constant 0 : index
    %get3A_11 = vector.load %arg8[%get3A_9, %get3A_10] : memref<1x1024xf32, #tpu.memory_space<vmem>>, vector<1x1024xf32>
    %add3A_12 = vector.broadcast %broadcast_in_dim3A : vector<1024x1xf32> to vector<1024x1024xf32>
    %add3A_13 = vector.broadcast %get3A_11 : vector<1x1024xf32> to vector<1024x1024xf32>
    %add3A_14 = arith.addf %add3A_12, %add3A_13 : vector<1024x1024xf32>
    %sub3A = arith.subf %add3A_14, %dot_general3A_8 : vector<1024x1024xf32>
    %reduce_min3A = arith.constant dense<0x7F800000> : vector<1024xf32>
    %reduce_min3A_15 = vector.multi_reduction <minimumf>, %sub3A, %reduce_min3A [1] : vector<1024x1024xf32> to vector<1024xf32>
    %broadcast_in_dim3A_16 = vector.shape_cast %reduce_min3A_15 : vector<1024xf32> to vector<1024x1xf32>
    %get3A_17 = arith.constant 0 : index
    %get3A_18 = arith.constant 0 : index
    %get3A_19 = vector.load %arg9[%get3A_17, %get3A_18] : memref<1x1024xf32, #tpu.memory_space<vmem>>, vector<1x1024xf32>
    %eq3A_20 = vector.broadcast %broadcast_in_dim3A_16 : vector<1024x1xf32> to vector<1024x1024xf32>
    %eq3A_21 = arith.cmpf oeq, %sub3A, %eq3A_20 : vector<1024x1024xf32>
    %jit3A = arith.constant 1.024000e+03 : f32
    %broadcast_in_dim3A_22 = vector.shape_cast %get3A_19 : vector<1x1024xf32> to vector<1x1024xf32>
    %broadcast_in_dim3A_23 = vector.broadcast %broadcast_in_dim3A_22 : vector<1x1024xf32> to vector<1024x1024xf32>
    %broadcast_in_dim3A_24 = vector.broadcast %jit3A : f32 to vector<1024x1024xf32>
    %select_n3A = arith.select %eq3A_21, %broadcast_in_dim3A_23, %broadcast_in_dim3A_24 : vector<1024x1024xi1>, vector<1024x1024xf32>
    %reduce_min3A_25 = arith.constant dense<0x7F800000> : vector<1024xf32>
    %reduce_min3A_26 = vector.multi_reduction <minimumf>, %select_n3A, %reduce_min3A_25 [1] : vector<1024x1024xf32> to vector<1024xf32>
    %broadcast_in_dim3A_27 = vector.shape_cast %reduce_min3A_26 : vector<1024xf32> to vector<1024x1xf32>
    %eq3A_28 = vector.broadcast %get3A_19 : vector<1x1024xf32> to vector<1024x1024xf32>
    %eq3A_29 = vector.broadcast %broadcast_in_dim3A_27 : vector<1024x1xf32> to vector<1024x1024xf32>
    %eq3A_30 = arith.cmpf oeq, %eq3A_28, %eq3A_29 : vector<1024x1024xf32>
    %convert_element_type3A_31 = arith.extui %eq3A_30 : vector<1024x1024xi1> to vector<1024x1024xi32>
    %convert_element_type3A_32 = arith.sitofp %convert_element_type3A_31 : vector<1024x1024xi32> to vector<1024x1024xf32>
    %swap3A = arith.constant 0 : index
    %swap3A_33 = arith.constant 0 : index
    %swap3A_34 = vector.load %arg4[%swap3A, %swap3A_33] : memref<1024x1024xf32, #tpu.memory_space<vmem>>, vector<1024x1024xf32>
    tpu.vector_store %arg4[%swap3A, %swap3A_33], %convert_element_type3A_32 {strides = array<i32>} : memref<1024x1024xf32, #tpu.memory_space<vmem>>, vector<1024x1024xf32>,
    %swap3A_35 = arith.constant 0 : index
    %swap3A_36 = arith.constant 0 : index
    %swap3A_37 = vector.load %arg5[%swap3A_35, %swap3A_36] : memref<1024x1xf32, #tpu.memory_space<vmem>>, vector<1024x1xf32>
    tpu.vector_store %arg5[%swap3A_35, %swap3A_36], %broadcast_in_dim3A_27 {strides = array<i32>} : memref<1024x1xf32, #tpu.memory_space<vmem>>, vector<1024x1xf32>,
    %broadcast_in_dim3A_38 = arith.constant 1.000000e+00 : f32
    %broadcast_in_dim3A_39 = vector.broadcast %broadcast_in_dim3A_38 : f32 to vector<1x1024xf32>
    %get3A_40 = arith.constant 0 : index
    %get3A_41 = arith.constant 0 : index
    %get3A_42 = vector.load %arg10[%get3A_40, %get3A_41] : memref<1x1024xf32, #tpu.memory_space<vmem>>, vector<1x1024xf32>
    %dot_general3A_43 = arith.constant dense<0.000000e+00> : vector<1x1024xf32>
    %dot_general3A_44 = tpu.matmul %broadcast_in_dim3A_39, %convert_element_type3A_32, %dot_general3A_43 {dimension_numbers = #tpu.dot_dimension_numbers<[1], [0], [0], [1], [0, 0, 1, 1], [], []>, transpose_lhs_hint = false} : vector<1x1024xf32>, vector<1024x1024xf32>, vector<1x1024xf32> -> vector<1x1024xf32>
    %add3A_45 = arith.addf %get3A_42, %dot_general3A_44 : vector<1x1024xf32>
    %swap3A_46 = arith.constant 0 : index
    %swap3A_47 = arith.constant 0 : index
    %swap3A_48 = vector.load %arg10[%swap3A_46, %swap3A_47] : memref<1x1024xf32, #tpu.memory_space<vmem>>, vector<1x1024xf32>
    tpu.vector_store %arg10[%swap3A_46, %swap3A_47], %add3A_45 {strides = array<i32>} : memref<1x1024xf32, #tpu.memory_space<vmem>>, vector<1x1024xf32>,
    %eq3A_49 = arith.constant 8 : i32
    %eq3A_50 = arith.cmpi eq, %arg0, %eq3A_49 : i32
    %convert_element_type3A_51 = arith.extui %eq3A_50 : i1 to i32
    %cond3A_52 = arith.constant 0 : i32
    %cond3A_53 = arith.cmpi ne, %convert_element_type3A_51, %cond3A_52 : i32
    scf.if %cond3A_53 {
      %get3A_54 = arith.constant 0 : index
      %get3A_55 = arith.constant 0 : index
      %get3A_56 = vector.load %arg10[%get3A_54, %get3A_55] : memref<1x1024xf32, #tpu.memory_space<vmem>>, vector<1x1024xf32>
      %swap3A_57 = arith.constant 0 : index
      %swap3A_58 = arith.constant 0 : index
      %swap3A_59 = vector.load %arg6[%swap3A_57, %swap3A_58] : memref<1x1024xf32, #tpu.memory_space<vmem>>, vector<1x1024xf32>
      tpu.vector_store %arg6[%swap3A_57, %swap3A_58], %get3A_56 {strides = array<i32>} : memref<1x1024xf32, #tpu.memory_space<vmem>>, vector<1x1024xf32>,
      %get3A_60 = arith.constant 0 : index
      %get3A_61 = arith.constant 0 : index
      %get3A_62 = vector.load %arg10[%get3A_60, %get3A_61] : memref<1x1024xf32, #tpu.memory_space<vmem>>, vector<1x1024xf32>
      %div3A = arith.constant 1.843200e+04 : f32
      %div3A_63 = vector.broadcast %div3A : f32 to vector<1x1024xf32>
      %div3A_64 = arith.divf %get3A_62, %div3A_63 : vector<1x1024xf32>
      %add3A_65 = arith.constant 1.000000e-10 : f32
      %add3A_66 = vector.broadcast %add3A_65 : f32 to vector<1x1024xf32>
      %add3A_67 = arith.addf %div3A_64, %add3A_66 : vector<1x1024xf32>
      %log3A = math.log %add3A_67 : vector<1x1024xf32>
      %mul3A_68 = arith.mulf %div3A_64, %log3A : vector<1x1024xf32>
      %reduce_sum3A_69 = vector.shape_cast %mul3A_68 : vector<1x1024xf32> to vector<1x1x1024xf32>
      %reduce_sum3A_70 = arith.constant dense<0.000000e+00> : vector<1xf32>
      %reduce_sum3A_71 = vector.multi_reduction <add>, %reduce_sum3A_69, %reduce_sum3A_70 [1, 2] : vector<1x1x1024xf32> to vector<1xf32>
      %reduce_sum3A_72 = vector.shape_cast %reduce_sum3A_71 : vector<1xf32> to vector<1x1x1xf32>
      %reduce_sum3A_73 = vector.extract %reduce_sum3A_72[0, 0, 0] : f32 from vector<1x1x1xf32>
      %broadcast_in_dim3A_74 = vector.broadcast %reduce_sum3A_73 : f32 to vector<1x1xf32>
      %neg3A = arith.constant 0.000000e+00 : f32
      %neg3A_75 = vector.broadcast %neg3A : f32 to vector<1x1xf32>
      %neg3A_76 = arith.subf %neg3A_75, %broadcast_in_dim3A_74 : vector<1x1xf32>
      %exp3A = math.exp %neg3A_76 : vector<1x1xf32>
      %swap3A_77 = arith.constant 0 : index
      %swap3A_78 = arith.constant 0 : index
      %swap3A_79 = vector.load %arg7[%swap3A_77, %swap3A_78] : memref<1x1xf32, #tpu.memory_space<vmem>>, vector<1x1xf32>
      tpu.vector_store %arg7[%swap3A_77, %swap3A_78], %exp3A {strides = array<i32>} : memref<1x1xf32, #tpu.memory_space<vmem>>, vector<1x1xf32>,
    } else {
    }
    return
  }
  func.func @transform_0(%arg0: i32) -> (i32, i32) {
    %add3A = arith.constant 0 : i32
    %add3A_0 = arith.addi %add3A, %arg0 : i32
    %c0_i32 = arith.constant 0 : i32
    %c0_i32_1 = arith.constant 0 : i32
    return %add3A_0, %c0_i32 : i32, i32
  }
  func.func @transform_1(%arg0: i32) -> (i32, i32) {
    %c0_i32 = arith.constant 0 : i32
    %c0_i32_0 = arith.constant 0 : i32
    %c0_i32_1 = arith.constant 0 : i32
    return %c0_i32, %c0_i32_0 : i32, i32
  }
  func.func @transform_2(%arg0: i32) -> (i32, i32) {
    %c0_i32 = arith.constant 0 : i32
    %c0_i32_0 = arith.constant 0 : i32
    %c0_i32_1 = arith.constant 0 : i32
    return %c0_i32, %c0_i32_0 : i32, i32
  }
  func.func @transform_3(%arg0: i32) -> (i32, i32) {
    %add3A = arith.constant 0 : i32
    %add3A_0 = arith.addi %add3A, %arg0 : i32
    %c0_i32 = arith.constant 0 : i32
    %c0_i32_1 = arith.constant 0 : i32
    return %add3A_0, %c0_i32 : i32, i32
  }
  func.func @transform_4(%arg0: i32) -> (i32, i32) {
    %c0_i32 = arith.constant 0 : i32
    %c0_i32_0 = arith.constant 0 : i32
    return %arg0, %c0_i32 : i32, i32
  }
  func.func @transform_5(%arg0: i32) -> (i32, i32) {
    %c0_i32 = arith.constant 0 : i32
    %c0_i32_0 = arith.constant 0 : i32
    %c0_i32_1 = arith.constant 0 : i32
    return %c0_i32, %c0_i32_0 : i32, i32
  }
  func.func @transform_6(%arg0: i32) -> (i32, i32) {
    %c0_i32 = arith.constant 0 : i32
    %c0_i32_0 = arith.constant 0 : i32
    %c0_i32_1 = arith.constant 0 : i32
    return %c0_i32, %c0_i32_0 : i32, i32
  }
}

module attributes {stable_mosaic.version = 14 : i64} {
  func.func @body(%arg0: i32, %arg1: memref<1024x64xf32, #tpu.memory_space<vmem>>, %arg2: memref<1024x64xf32, #tpu.memory_space<vmem>>, %arg3: memref<1x1024xf32, #tpu.memory_space<vmem>>, %arg4: memref<18432x1024xf32, #tpu.memory_space<any>>, %arg5: memref<1024x1024xf32, #tpu.memory_space<vmem>>, %arg6: memref<1024x1xf32, #tpu.memory_space<vmem>>, %arg7: memref<1x1024xf32, #tpu.memory_space<vmem>>, %arg8: memref<1x1xf32, #tpu.memory_space<vmem>>, %arg9: memref<1x1024xf32, #tpu.memory_space<vmem>>, %arg10: memref<1x1024xf32, #tpu.memory_space<vmem>>, %arg11: memref<1x1024xf32, #tpu.memory_space<vmem>>) attributes {dimension_semantics = [#tpu.dimension_semantics<arbitrary>], iteration_bounds = array<i64: 9>, scalar_prefetch = 0 : i64, scratch_operands = 3 : i64, tpu.core_type = #tpu.core_type<tc>, window_params = [{transform_indices = @transform_0, window_bounds = array<i64: 1024, 64>}, {pipeline_mode = #tpu.pipeline_mode<synchronous>, transform_indices = @transform_1, window_bounds = array<i64: 1024, 64>}, {pipeline_mode = #tpu.pipeline_mode<synchronous>, transform_indices = @transform_2, window_bounds = array<i64: 1, 1024>}, {}, {transform_indices = @transform_4, window_bounds = array<i64: 1024, 1024>}, {transform_indices = @transform_5, window_bounds = array<i64: 1024, 1>}, {pipeline_mode = #tpu.pipeline_mode<synchronous>, transform_indices = @transform_6, window_bounds = array<i64: 1, 1024>}, {pipeline_mode = #tpu.pipeline_mode<synchronous>, transform_indices = @transform_7, window_bounds = array<i64: 1, 1>}]} {
    %get3A = arith.constant 0 : index
    %get3A_0 = arith.constant 0 : index
    %get3A_1 = vector.load %arg1[%get3A, %get3A_0] : memref<1024x64xf32, #tpu.memory_space<vmem>>, vector<1024x64xf32>
    %get3A_2 = arith.constant 0 : index
    %get3A_3 = arith.constant 0 : index
    %get3A_4 = vector.load %arg2[%get3A_2, %get3A_3] : memref<1024x64xf32, #tpu.memory_space<vmem>>, vector<1024x64xf32>
    %eq3A = arith.constant 0 : i32
    %eq3A_5 = arith.cmpi eq, %arg0, %eq3A : i32
    %convert_element_type3A = arith.extui %eq3A_5 : i1 to i32
    %cond3A = arith.constant 0 : i32
    %cond3A_6 = arith.cmpi ne, %convert_element_type3A, %cond3A : i32
    scf.if %cond3A_6 {
      %mul3A_54 = arith.mulf %get3A_4, %get3A_4 : vector<1024x64xf32>
      %reduce_sum3A_55 = arith.constant dense<0.000000e+00> : vector<1024xf32>
      %reduce_sum3A_56 = vector.multi_reduction <add>, %mul3A_54, %reduce_sum3A_55 [1] : vector<1024x64xf32> to vector<1024xf32>
      %reshape3A = vector.shape_cast %reduce_sum3A_56 : vector<1024xf32> to vector<1x1024xf32>
      %swap3A_57 = arith.constant 0 : index
      %swap3A_58 = arith.constant 0 : index
      %swap3A_59 = vector.load %arg9[%swap3A_57, %swap3A_58] : memref<1x1024xf32, #tpu.memory_space<vmem>>, vector<1x1024xf32>
      tpu.vector_store %arg9[%swap3A_57, %swap3A_58], %reshape3A {strides = array<i32>} : memref<1x1024xf32, #tpu.memory_space<vmem>>, vector<1x1024xf32>,
      %iota3A = tpu.iota {dimensions = array<i32: 1>} : vector<1x1024xi32>
      %convert_element_type3A_60 = arith.sitofp %iota3A : vector<1x1024xi32> to vector<1x1024xf32>
      %swap3A_61 = arith.constant 0 : index
      %swap3A_62 = arith.constant 0 : index
      %swap3A_63 = vector.load %arg10[%swap3A_61, %swap3A_62] : memref<1x1024xf32, #tpu.memory_space<vmem>>, vector<1x1024xf32>
      tpu.vector_store %arg10[%swap3A_61, %swap3A_62], %convert_element_type3A_60 {strides = array<i32>} : memref<1x1024xf32, #tpu.memory_space<vmem>>, vector<1x1024xf32>,
      %get3A_64 = arith.constant 0 : index
      %get3A_65 = arith.constant 0 : index
      %get3A_66 = vector.load %arg3[%get3A_64, %get3A_65] : memref<1x1024xf32, #tpu.memory_space<vmem>>, vector<1x1024xf32>
      %swap3A_67 = arith.constant 0 : index
      %swap3A_68 = arith.constant 0 : index
      %swap3A_69 = vector.load %arg11[%swap3A_67, %swap3A_68] : memref<1x1024xf32, #tpu.memory_space<vmem>>, vector<1x1024xf32>
      tpu.vector_store %arg11[%swap3A_67, %swap3A_68], %get3A_66 {strides = array<i32>} : memref<1x1024xf32, #tpu.memory_space<vmem>>, vector<1x1024xf32>,
    } else {
    }
    %mul3A = arith.mulf %get3A_1, %get3A_1 : vector<1024x64xf32>
    %reduce_sum3A = arith.constant dense<0.000000e+00> : vector<1024xf32>
    %reduce_sum3A_7 = vector.multi_reduction <add>, %mul3A, %reduce_sum3A [1] : vector<1024x64xf32> to vector<1024xf32>
    %broadcast_in_dim3A = vector.shape_cast %reduce_sum3A_7 : vector<1024xf32> to vector<1024x1xf32>
    %add3A = arith.addf %get3A_1, %get3A_1 : vector<1024x64xf32>
    %dot_general3A = arith.constant dense<0.000000e+00> : vector<1024x1024xf32>
    %dot_general3A_8 = tpu.matmul %add3A, %get3A_4, %dot_general3A {dimension_numbers = #tpu.dot_dimension_numbers<[1], [1], [0], [0], [0, 0, 1, 0], [], []>, transpose_lhs_hint = false} : vector<1024x64xf32>, vector<1024x64xf32>, vector<1024x1024xf32> -> vector<1024x1024xf32>
    %get3A_9 = arith.constant 0 : index
    %get3A_10 = arith.constant 0 : index
    %get3A_11 = vector.load %arg9[%get3A_9, %get3A_10] : memref<1x1024xf32, #tpu.memory_space<vmem>>, vector<1x1024xf32>
    %add3A_12 = vector.broadcast %broadcast_in_dim3A : vector<1024x1xf32> to vector<1024x1024xf32>
    %add3A_13 = vector.broadcast %get3A_11 : vector<1x1024xf32> to vector<1024x1024xf32>
    %add3A_14 = arith.addf %add3A_12, %add3A_13 : vector<1024x1024xf32>
    %sub3A = arith.subf %add3A_14, %dot_general3A_8 : vector<1024x1024xf32>
    %reduce_min3A = arith.constant dense<0x7F800000> : vector<1024xf32>
    %reduce_min3A_15 = vector.multi_reduction <minimumf>, %sub3A, %reduce_min3A [1] : vector<1024x1024xf32> to vector<1024xf32>
    %broadcast_in_dim3A_16 = vector.shape_cast %reduce_min3A_15 : vector<1024xf32> to vector<1024x1xf32>
    %get3A_17 = arith.constant 0 : index
    %get3A_18 = arith.constant 0 : index
    %get3A_19 = vector.load %arg10[%get3A_17, %get3A_18] : memref<1x1024xf32, #tpu.memory_space<vmem>>, vector<1x1024xf32>
    %eq3A_20 = vector.broadcast %broadcast_in_dim3A_16 : vector<1024x1xf32> to vector<1024x1024xf32>
    %eq3A_21 = arith.cmpf oeq, %sub3A, %eq3A_20 : vector<1024x1024xf32>
    %jit3A = arith.constant 1.024000e+03 : f32
    %broadcast_in_dim3A_22 = vector.shape_cast %get3A_19 : vector<1x1024xf32> to vector<1x1024xf32>
    %broadcast_in_dim3A_23 = vector.broadcast %broadcast_in_dim3A_22 : vector<1x1024xf32> to vector<1024x1024xf32>
    %broadcast_in_dim3A_24 = vector.broadcast %jit3A : f32 to vector<1024x1024xf32>
    %select_n3A = arith.select %eq3A_21, %broadcast_in_dim3A_23, %broadcast_in_dim3A_24 : vector<1024x1024xi1>, vector<1024x1024xf32>
    %reduce_min3A_25 = arith.constant dense<0x7F800000> : vector<1024xf32>
    %reduce_min3A_26 = vector.multi_reduction <minimumf>, %select_n3A, %reduce_min3A_25 [1] : vector<1024x1024xf32> to vector<1024xf32>
    %broadcast_in_dim3A_27 = vector.shape_cast %reduce_min3A_26 : vector<1024xf32> to vector<1024x1xf32>
    %eq3A_28 = vector.broadcast %get3A_19 : vector<1x1024xf32> to vector<1024x1024xf32>
    %eq3A_29 = vector.broadcast %broadcast_in_dim3A_27 : vector<1024x1xf32> to vector<1024x1024xf32>
    %eq3A_30 = arith.cmpf oeq, %eq3A_28, %eq3A_29 : vector<1024x1024xf32>
    %convert_element_type3A_31 = arith.extui %eq3A_30 : vector<1024x1024xi1> to vector<1024x1024xi32>
    %convert_element_type3A_32 = arith.sitofp %convert_element_type3A_31 : vector<1024x1024xi32> to vector<1024x1024xf32>
    %swap3A = arith.constant 0 : index
    %swap3A_33 = arith.constant 0 : index
    %swap3A_34 = vector.load %arg5[%swap3A, %swap3A_33] : memref<1024x1024xf32, #tpu.memory_space<vmem>>, vector<1024x1024xf32>
    tpu.vector_store %arg5[%swap3A, %swap3A_33], %convert_element_type3A_32 {strides = array<i32>} : memref<1024x1024xf32, #tpu.memory_space<vmem>>, vector<1024x1024xf32>,
    %swap3A_35 = arith.constant 0 : index
    %swap3A_36 = arith.constant 0 : index
    %swap3A_37 = vector.load %arg6[%swap3A_35, %swap3A_36] : memref<1024x1xf32, #tpu.memory_space<vmem>>, vector<1024x1xf32>
    tpu.vector_store %arg6[%swap3A_35, %swap3A_36], %broadcast_in_dim3A_27 {strides = array<i32>} : memref<1024x1xf32, #tpu.memory_space<vmem>>, vector<1024x1xf32>,
    %broadcast_in_dim3A_38 = arith.constant 1.000000e+00 : f32
    %broadcast_in_dim3A_39 = vector.broadcast %broadcast_in_dim3A_38 : f32 to vector<1x1024xf32>
    %get3A_40 = arith.constant 0 : index
    %get3A_41 = arith.constant 0 : index
    %get3A_42 = vector.load %arg11[%get3A_40, %get3A_41] : memref<1x1024xf32, #tpu.memory_space<vmem>>, vector<1x1024xf32>
    %dot_general3A_43 = arith.constant dense<0.000000e+00> : vector<1x1024xf32>
    %dot_general3A_44 = tpu.matmul %broadcast_in_dim3A_39, %convert_element_type3A_32, %dot_general3A_43 {dimension_numbers = #tpu.dot_dimension_numbers<[1], [0], [0], [1], [0, 0, 1, 1], [], []>, transpose_lhs_hint = false} : vector<1x1024xf32>, vector<1024x1024xf32>, vector<1x1024xf32> -> vector<1x1024xf32>
    %add3A_45 = arith.addf %get3A_42, %dot_general3A_44 : vector<1x1024xf32>
    %swap3A_46 = arith.constant 0 : index
    %swap3A_47 = arith.constant 0 : index
    %swap3A_48 = vector.load %arg11[%swap3A_46, %swap3A_47] : memref<1x1024xf32, #tpu.memory_space<vmem>>, vector<1x1024xf32>
    tpu.vector_store %arg11[%swap3A_46, %swap3A_47], %add3A_45 {strides = array<i32>} : memref<1x1024xf32, #tpu.memory_space<vmem>>, vector<1x1024xf32>,
    %eq3A_49 = arith.constant 8 : i32
    %eq3A_50 = arith.cmpi eq, %arg0, %eq3A_49 : i32
    %convert_element_type3A_51 = arith.extui %eq3A_50 : i1 to i32
    %cond3A_52 = arith.constant 0 : i32
    %cond3A_53 = arith.cmpi ne, %convert_element_type3A_51, %cond3A_52 : i32
    scf.if %cond3A_53 {
      %get3A_54 = arith.constant 0 : index
      %get3A_55 = arith.constant 0 : index
      %get3A_56 = vector.load %arg11[%get3A_54, %get3A_55] : memref<1x1024xf32, #tpu.memory_space<vmem>>, vector<1x1024xf32>
      %swap3A_57 = arith.constant 0 : index
      %swap3A_58 = arith.constant 0 : index
      %swap3A_59 = vector.load %arg7[%swap3A_57, %swap3A_58] : memref<1x1024xf32, #tpu.memory_space<vmem>>, vector<1x1024xf32>
      tpu.vector_store %arg7[%swap3A_57, %swap3A_58], %get3A_56 {strides = array<i32>} : memref<1x1024xf32, #tpu.memory_space<vmem>>, vector<1x1024xf32>,
      %get3A_60 = arith.constant 0 : index
      %get3A_61 = arith.constant 0 : index
      %get3A_62 = vector.load %arg11[%get3A_60, %get3A_61] : memref<1x1024xf32, #tpu.memory_space<vmem>>, vector<1x1024xf32>
      %div3A = arith.constant 1.843200e+04 : f32
      %div3A_63 = vector.broadcast %div3A : f32 to vector<1x1024xf32>
      %div3A_64 = arith.divf %get3A_62, %div3A_63 : vector<1x1024xf32>
      %add3A_65 = arith.constant 1.000000e-10 : f32
      %add3A_66 = vector.broadcast %add3A_65 : f32 to vector<1x1024xf32>
      %add3A_67 = arith.addf %div3A_64, %add3A_66 : vector<1x1024xf32>
      %log3A = math.log %add3A_67 : vector<1x1024xf32>
      %mul3A_68 = arith.mulf %div3A_64, %log3A : vector<1x1024xf32>
      %reduce_sum3A_69 = vector.shape_cast %mul3A_68 : vector<1x1024xf32> to vector<1x1x1024xf32>
      %reduce_sum3A_70 = arith.constant dense<0.000000e+00> : vector<1xf32>
      %reduce_sum3A_71 = vector.multi_reduction <add>, %reduce_sum3A_69, %reduce_sum3A_70 [1, 2] : vector<1x1x1024xf32> to vector<1xf32>
      %reduce_sum3A_72 = vector.shape_cast %reduce_sum3A_71 : vector<1xf32> to vector<1x1x1xf32>
      %reduce_sum3A_73 = vector.extract %reduce_sum3A_72[0, 0, 0] : f32 from vector<1x1x1xf32>
      %broadcast_in_dim3A_74 = vector.broadcast %reduce_sum3A_73 : f32 to vector<1x1xf32>
      %neg3A = arith.constant 0.000000e+00 : f32
      %neg3A_75 = vector.broadcast %neg3A : f32 to vector<1x1xf32>
      %neg3A_76 = arith.subf %neg3A_75, %broadcast_in_dim3A_74 : vector<1x1xf32>
      %exp3A = math.exp %neg3A_76 : vector<1x1xf32>
      %swap3A_77 = arith.constant 0 : index
      %swap3A_78 = arith.constant 0 : index
      %swap3A_79 = vector.load %arg8[%swap3A_77, %swap3A_78] : memref<1x1xf32, #tpu.memory_space<vmem>>, vector<1x1xf32>
      tpu.vector_store %arg8[%swap3A_77, %swap3A_78], %exp3A {strides = array<i32>} : memref<1x1xf32, #tpu.memory_space<vmem>>, vector<1x1xf32>,
    } else {
    }
    return
  }
  func.func @transform_0(%arg0: i32) -> (i32, i32) {
    %add3A = arith.constant 9 : i32
    %add3A_0 = arith.addi %add3A, %arg0 : i32
    %c0_i32 = arith.constant 0 : i32
    %c0_i32_1 = arith.constant 0 : i32
    return %add3A_0, %c0_i32 : i32, i32
  }
  func.func @transform_1(%arg0: i32) -> (i32, i32) {
    %c0_i32 = arith.constant 0 : i32
    %c0_i32_0 = arith.constant 0 : i32
    %c0_i32_1 = arith.constant 0 : i32
    return %c0_i32, %c0_i32_0 : i32, i32
  }
  func.func @transform_2(%arg0: i32) -> (i32, i32) {
    %c0_i32 = arith.constant 0 : i32
    %c0_i32_0 = arith.constant 0 : i32
    %c0_i32_1 = arith.constant 0 : i32
    return %c0_i32, %c0_i32_0 : i32, i32
  }
  func.func @transform_4(%arg0: i32) -> (i32, i32) {
    %add3A = arith.constant 9 : i32
    %add3A_0 = arith.addi %add3A, %arg0 : i32
    %c0_i32 = arith.constant 0 : i32
    %c0_i32_1 = arith.constant 0 : i32
    return %add3A_0, %c0_i32 : i32, i32
  }
  func.func @transform_5(%arg0: i32) -> (i32, i32) {
    %c0_i32 = arith.constant 0 : i32
    %c0_i32_0 = arith.constant 0 : i32
    return %arg0, %c0_i32 : i32, i32
  }
  func.func @transform_6(%arg0: i32) -> (i32, i32) {
    %c0_i32 = arith.constant 0 : i32
    %c0_i32_0 = arith.constant 0 : i32
    %c0_i32_1 = arith.constant 0 : i32
    return %c0_i32, %c0_i32_0 : i32, i32
  }
  func.func @transform_7(%arg0: i32) -> (i32, i32) {
    %c0_i32 = arith.constant 0 : i32
    %c0_i32_0 = arith.constant 0 : i32
    %c0_i32_1 = arith.constant 0 : i32
    return %c0_i32, %c0_i32_0 : i32, i32
  }
}

</mosaic_0001>

<sc_bundles>
// kernel: kernel.6.cloned.1.call-start
scs
__scs_entry_jumppad:
0x0: {  	(pc) =	sbr.rel $0x88, $3  }
0x1: {  	(tag) =	ssettag $0x0;
	lr =	simm.s32 $0x1  }
0x2: {  	[smem:$0x3F9F] =	sst lr;
	_ =	strace $0xD0000000  }
0x3: {  	_ = 	snop  }
0x4: {  	_ = 	snop  }
0x5: {  	_ = 	snop  }
0x6: {  	_ = 	snop  }
0x7: {  	_ = 	snop  }
__scs_overlays_trampoline_lowered:
0x8: {  	[smem:$0x3FAE] =	sst s0  }
0x9: {  	[smem:$0x3FAF] =	sst s1  }
0xa: {  	[smem:$0x3FB0] =	sst s2  }
0xb: {  	[smem:$0x3FB1] =	sst s3  }
0xc: {  	[smem:$0x3FB2] =	sst s4  }
0xd: {  	[smem:$0x3FB3] =	sst s5  }
0xe: {  	[smem:$0x3FB4] =	sst s6  }
0xf: {  	[smem:$0x3FB5] =	sst s7  }
0x10: {  	[smem:$0x3FB6] =	sst s8  }
0x11: {  	[smem:$0x3FB7] =	sst s9;
	s0 =	simm.s32 @!p0 $0x0  }
0x12: {  	s1 =	sld [smem:$0x3F9D];
	s0 =	simm.s32 @p0 $0x1  }
0x13: {  	[smem:$0x3FB8] =	sst s0;
	s0 =	simm.s32 @!p1 $0x0  }
0x14: {  	s2 =	sld [smem:$0x3F9C];
	s0 =	simm.s32 @p1 $0x1  }
0x15: {  	[smem:$0x3FB9] =	sst s0;
	s0 =	simm.s32 @!p2 $0x0  }
0x16: {  	s3 =	sld [smem:$0x3FDB];
	s0 =	simm.s32 @p2 $0x1  }
0x17: {  	s4 =	simm.s32 $0x1BF5;
	[smem:$0x3FBB] =	sst s0  }
0x18: {  	s0 =	sld [smem:$0x3F9E];
	_ =	swait.ge [sflag:s4], $0x0  }
0x19: {  	s7 =	sld [smem:$0x3F9F]  }
0x1a: {  	s8 =	sadd.s32 $0xFFFFE003, lr  }
0x1b: {  	s9 =	sadd.s32 $0xFFFFFEF7, lr;
	s5 =	simm.s32 $0xFFFFFFFF;
	p2 =	slt.u32 s8, $0xFFFFF086  }
0x1c: {  	p1 =	slt.u32 s9, $0xF7A;
	s5 =	simm.s32 @!p2 $0x0  }
0x1d: {  	s5 =	simm.s32 @p1 $0x1;
	p0 =	seq.s32 s7, s2  }
0x1e: {  	s7 =	smul.u32 @!p0 $0xF7A, s2;
	p2 =	seq.s32 @!p0 s5, $0x0  }
0x1f: {  	s9 =	smul.u32 $0xF7A, s1;
	s8 =	simm.s32 @!p0 $0x1BF5;
	p2 =	por !p2, p0  }
0x20: {  	[sflag:s8] =	ssyncset.s32 @!p0 $0xFFFFF086;
	s6 =	sadd.s32 @!p0 s3, s7;
	s7 =	simm.s32 @!p0 $0x108  }
0x21: {  	s3 =	sadd.s32 s3, s9;
	s6 =	sadd.s32 @!p0 $0x88, s6;
	s7 =	simm.s32 @p2 $0x1082  }
0x22: {  	[simem:s7], [sflag:s8] =	dma.local @!p0 [hbm:s6], $0xF7A  }
0x23: {  	s9 =	sor.u32 $0xD0000000, s2;
	s6 =	simm.s32 $0x108;
	_ =	swait.ge @!p0 [sflag:s8], $0x0  }
0x24: {  	s3 =	sadd.s32 $0x88, s3;
	s6 =	simm.s32 @!p1 $0x1082;
	[sflag:s4] =	ssyncset.s32 $0xFFFFF086  }
0x25: {  	[simem:s6], [sflag:s4] =	dma.local [hbm:s3], $0xF7A  }
0x26: {  	[smem:$0x3F9F] =	sst s1;
	(tag) =	ssettag s2;
	_ =	strace s9  }
0x27: {  	s1 =	sld [smem:$0x3FAF]  }
0x28: {  	s2 =	sld [smem:$0x3FB0]  }
0x29: {  	s4 =	sld [smem:$0x3FB2]  }
0x2a: {  	p0 =	seq.s32 s5, $0x0;
	s5 =	sld [smem:$0x3FB3]  }
0x2b: {  	s6 =	sld [smem:$0x3FB4]  }
0x2c: {  	s7 =	sld [smem:$0x3FB5]  }
0x2d: {  	s3 =	simm.s32 $0x108;
	s8 =	sld [smem:$0x3FB6]  }
0x2e: {  	s3 =	simm.s32 @!p0 $0x1082;
	s9 =	sld [smem:$0x3FB7]  }
0x2f: {  	lr =	sadd.s32 s0, s3;
	s0 =	sld [smem:$0x3FAE]  }
0x30: {  	s3 =	sld [smem:$0x3FB1]  }
0x31: {  	[smem:$0x3FBA] =	sst s10  }
0x32: {  	s10 =	sld [smem:$0x3FB8];
	_ =	sdelay $0x3  }
0x33: {  	p0 =	seq.s32 s10, $0x1;
	s10 =	sld [smem:$0x3FBA];
	_ =	sdelay $0x3  }
0x34: {  	[smem:$0x3FBA] =	sst s10  }
0x35: {  	s10 =	sld [smem:$0x3FB9];
	_ =	sdelay $0x3  }
0x36: {  	p1 =	seq.s32 s10, $0x1;
	s10 =	sld [smem:$0x3FBA];
	_ =	sdelay $0x3  }
0x37: {  	[smem:$0x3FBA] =	sst s10  }
0x38: {  	s10 =	sld [smem:$0x3FBB]  }
0x39: {  	_ = 	snop;
	(pc) =	sbr.ind lr, $3  }
0x3a: {  	_ = 	snop  }
0x3b: {  	_ = 	snop  }
0x3c: {  	p2 =	seq.s32 s10, $0x1;
	s10 =	sld [smem:$0x3FBA]  }
0x3d: {  	_ =	shalt  }
0x3e: {  	_ =	shalt  }
0x3f: {  	_ =	shalt  }
0x40: {  	_ =	shalt  }
0x41: {  	_ =	shalt  }
0x42: {  	_ =	shalt  }
0x43: {  	_ =	shalt  }
0x44: {  	_ =	shalt  }
0x45: {  	_ =	shalt  }
0x46: {  	_ =	shalt  }
0x47: {  	_ =	shalt  }
0x48: {  	_ =	shalt  }
0x49: {  	_ =	shalt  }
0x4a: {  	_ =	shalt  }
0x4b: {  	_ =	shalt  }
0x4c: {  	_ =	shalt  }
0x4d: {  	_ =	shalt  }
0x4e: {  	_ =	shalt  }
0x4f: {  	_ =	shalt  }
0x50: {  	_ =	shalt  }
0x51: {  	_ =	shalt  }
0x52: {  	_ =	shalt  }
0x53: {  	_ =	shalt  }
0x54: {  	_ =	shalt  }
0x55: {  	_ =	shalt  }
0x56: {  	_ =	shalt  }
0x57: {  	_ =	shalt  }
0x58: {  	_ =	shalt  }
0x59: {  	_ =	shalt  }
0x5a: {  	_ =	shalt  }
0x5b: {  	_ =	shalt  }
0x5c: {  	_ =	shalt  }
0x5d: {  	_ =	shalt  }
0x5e: {  	_ =	shalt  }
0x5f: {  	_ =	shalt  }
0x60: {  	_ =	shalt  }
0x61: {  	_ =	shalt  }
0x62: {  	_ =	shalt  }
0x63: {  	_ =	shalt  }
0x64: {  	_ =	shalt  }
0x65: {  	_ =	shalt  }
0x66: {  	_ =	shalt  }
0x67: {  	_ =	shalt  }
0x68: {  	_ =	shalt  }
0x69: {  	_ =	shalt  }
0x6a: {  	_ =	shalt  }
0x6b: {  	_ =	shalt  }
0x6c: {  	_ =	shalt  }
0x6d: {  	_ =	shalt  }
0x6e: {  	_ =	shalt  }
0x6f: {  	_ =	shalt  }
0x70: {  	_ =	shalt  }
0x71: {  	_ =	shalt  }
0x72: {  	_ =	shalt  }
0x73: {  	_ =	shalt  }
0x74: {  	_ =	shalt  }
0x75: {  	_ =	shalt  }
0x76: {  	_ =	shalt  }
0x77: {  	_ =	shalt  }
0x78: {  	_ =	shalt  }
0x79: {  	_ =	shalt  }
0x7a: {  	_ =	shalt  }
0x7b: {  	_ =	shalt  }
0x7c: {  	_ =	shalt  }
0x7d: {  	_ =	shalt  }
0x7e: {  	_ =	shalt  }
0x7f: {  	_ =	shalt  }
0x80: {  	_ =	shalt  }
0x81: {  	_ =	shalt  }
0x82: {  	_ =	shalt  }
0x83: {  	_ =	shalt  }
0x84: {  	_ =	shalt  }
0x85: {  	_ =	shalt  }
0x86: {  	_ =	shalt  }
0x87: {  	_ =	shalt  }
.Lfunc_end0:
.L_simem_size_0:
called_computation_lowered:
.L_overlay_start_0:
0x88: {  	s2 =	sld [smem:$0x3FD9]  }
0x89: {  	s3 =	sld [smem:$0x3FFE];
	_ =	sdelay $0x1  }
0x8a: {  	s1 =	srdreg.scid  }
0x8b: {  	s0 =	sand.u32 $0x1, s1  }
0x8c: {  	s15 =	sshll.u32 s0, $0xA;
	s2 =	sadd.s32 s3, s2  }
0x8d: {  	s2 =	sadd.s32 s2, s15  }
0x8e: {  	[smem:$0x3FC6] =	sst s2  }
0x8f: {  	_ = 	snop  }
0x90: {  	s2 =	sld [smem:$0x3FD0];
	_ =	sdelay $0x2  }
0x91: {  	s16 =	simm.s32 $0xB;
	s4 =	simm.s32 $0x10  }
0x92: {  	[smem:s4], [sflag:s16] =	dma.local [hbm:s2], $0x1  }
0x93: {  	_ =	swait.eq [sflag:s16], $0x1  }
0x94: {  	[sflag:s16] =	ssyncset.done $0x0  }
0x95: {  	[sflag:s16] =	ssyncadd.s32 $0xFFFFFFFF  }
0x96: {  	s17 =	sld [smem:$0x11];
	(tm) =	ssettm $0x1  }
0x97: {  	s18 =	sld [smem:$0x3FFB];
	_ =	sdelay $0x3  }
0x98: {  	_ =	strace s18  }
0x99: {  	s2 =	sld [smem:$0x3FFC];
	_ =	sdelay $0x3  }
0x9a: {  	_ =	strace s2  }
0x9b: {  	s2 =	sld [smem:$0x3FFD];
	_ =	sdelay $0x3  }
0x9c: {  	_ =	strace s2  }
0x9d: {  	_ =	strace $0x8FFFFFFF  }
0x9e: {  	s19 =	sld [smem:$0x3FDB];
	_ =	sdelay $0x1  }
0x9f: {  	s20 =	simm.s32 $_scs_section_size  }
0xa0: {  	s5 =	simm.s32 $_size__tile_overlayer_lowered;
	s6 =	simm.s32 $_tile_overlayer_lowered  }
0xa1: {  	s7 =	simm.s32 $0x1BFF;
	s21 =	sshll.u32 s6, $0x1;
	s4 =	sadd.s32 s20, s19  }
0xa2: {  	s22 =	simm.s32 $0x0;
	s5 =	sshll.u32 s5, $0x1;
	s6 =	sadd.s32 s21, s4  }
0xa3: {  	[timem:s22], [sflag:s7] =	dma.local [hbm:s6], s5  }
0xa4: {  	_ =	swait.ge [sflag:s7], s5  }
0xa5: {  	s5 =	ssub.s32 $0x0, s5;
	[sflag:s7] =	ssyncset.done $0x0  }
0xa6: {  	[sflag:s7] =	ssyncadd.s32 s5;
	_ =	sdelay $0x1  }
0xa7: {  	s23 =	simm.s32 $0x1B8B  }
0xa8: {  	_ =	swait.ge [sflag:s23], $0x1  }
0xa9: {  	[sflag:s23] =	ssyncset.done $0x0  }
0xaa: {  	[sflag:s23] =	ssyncadd.s32 $0xFFFFFFFF  }
0xab: {  	s5 =	sld [smem:$0x0]  }
0xac: {  	s6 =	sand.u32 $0xFFFFFFFE, s1  }
0xad: {  	p0 =	sne.s32 s1, s6  }
0xae: {  	s6 =	sshll.u32 @p0 s6, $0xE  }
0xaf: {  	s6 =	sadd.s32 @p0 $0x11B8D, s6;
	s7 =	sshll.u32 @p0 s5, $0x11  }
0xb0: {  	s6 =	sor.u32 @p0 s7, s6  }
0xb1: {  	[sflag:s6] =	ssyncadd.remote.s32 @p0 $0x1;
	_ =	sdelay $0x1  }
0xb2: {  	s6 =	simm.s32 @p0 $0x1B8D  }
0xb3: {  	_ =	swait.eq @p0 [sflag:s6], $0x1  }
0xb4: {  	[sflag:s6] =	ssyncadd.s32 @p0 $0xFFFFFFFF  }
0xb5: {  	s7 =	sshll.u32 @!p0 s1, $0xE  }
0xb6: {  	s7 =	sor.u32 @!p0 $0x4000, s7;
	s6 =	simm.s32 @!p0 $0x1B8D  }
0xb7: {  	s5 =	sshll.u32 @!p0 s5, $0x11;
	s7 =	sadd.s32 @!p0 $0x11B8D, s7;
	_ =	swait.eq @!p0 [sflag:s6], $0x1  }
0xb8: {  	s5 =	sor.u32 @!p0 s5, s7;
	[sflag:s6] =	ssyncadd.s32 @!p0 $0xFFFFFFFF  }
0xb9: {  	s25 =	simm.s32 $0x1B8E;
	s24 =	sld [smem:$0x3FFE];
	[sflag:s5] =	ssyncadd.remote.s32 @!p0 $0x1  }
0xba: {  	s26 =	simm.s32 $execute0_lowered;
	[smem:$0x3FD2] =	sst s25  }
0xbb: {  	s6 =	sshll.u32 s26, $0x1;
	_ =	strace $0x80000049;
	[dreg:$0x1] =	wrdreg $0xFFFFFFFF  }
0xbc: {  	s28 =	simm.s32 $_size_execute0_lowered;
	s4 =	sadd.s32 s4, s6;
	[dreg:$0x0] =	wrdreg $0x0  }
0xbd: {  	s6 =	sshll.u32 s28, $0x1;
	[dreg:$0x2] =	wrdreg s4  }
0xbe: {  	[dreg:$0x3] =	wrdreg s6  }
0xbf: {  	[dreg:$0x4] =	wrdreg $0xC0  }
0xc0: {  	_ =	task [dreg:s22], $0x5FFFF  }
0xc1: {  	[dreg:$0x1] =	wrdreg $0xFFFFFFFF  }
0xc2: {  	[dreg:$0x0] =	wrdreg $0x60  }
0xc3: {  	[dreg:$0x2] =	wrdreg s24  }
0xc4: {  	[dreg:$0x3] =	wrdreg s17  }
0xc5: {  	[dreg:$0x4] =	wrdreg $0x9  }
0xc6: {  	_ =	task.clear_ibuf [dreg:s22], $0x5FFFF;
	_ =	strace $0x90000049  }
0xc7: {  	s29 =	simm.s32 $0x9;
	_ =	strace $0x8000004B  }
0xc8: {  	_ =	swait.ge [sflag:s29], $0x1  }
0xc9: {  	[sflag:s29] =	ssyncadd.s32 $0xFFFFFFFF  }
0xca: {  	_ =	strace $0x9000004B  }
0xcb: {  	_ =	sfence  }
0xcc: {  	s30 =	sld [smem:$0x0];
	_ =	sdelay $0x2  }
0xcd: {  	s31 =	sshll.u32 s1, $0xD;
	s1 =	sshrl.u32 s1, $0x2  }
0xce: {  	s4 =	sand.u32 $0x4000, s31;
	s1 =	sadd.s32 s1, s30  }
0xcf: {  	s0 =	sor.u32 s4, s0;
	s1 =	sshll.u32 s1, $0x11  }
0xd0: {  	s0 =	sor.u32 s1, s0  }
0xd1: {  	s0 =	sadd.s32 $0x8F2B, s0  }
0xd2: {  	[sflag:s0] =	ssyncadd.remote.s32 $0x1  }
0xd3: {  	_ =	sfence.sel $0xFFFF  }
0xd4: {  	[dreg:$0x0] =	wrdreg $0xFFFFFFFF;
	(pc) =	sbr.abs _section_cstart, $3  }
0xd5: {  	[dreg:$0x1] =	wrdreg $0xFFFFFFFF  }
0xd6: {  	_ =	task.clear_ibuf [dreg:s22], $0x2FFFF;
	_ =	strace $0x9FFFFFFF  }
0xd7: {  	(tm) =	ssettm $0x7FFFFFFF  }
tec
execute0_lowered:
.L_overlay_start_1:
0x0: {  	(tag) =	ssettag $0x1  }
0x1: {  	s1 =	srdreg.scid;
	s4 =	rddreg [dreg:$0x0]  }
0x2: {  	s0 =	stileid.u32;
	s8 =	rddreg [dreg:$0x1];
	s2 =	simm.s32 $0x0  }
0x3: {  	s13 =	simm.s32 $0x100;
	s14 =	simm.s32 $0x60;
	s15 =	simm.s32 $0x200  }
0x4: {  	s16 =	simm.s32 $0x3200;
	s17 =	simm.s32 $0x6200;
	s18 =	simm.s32 $0x9200  }
0x5: {  	s19 =	simm.s32 $0x1;
	s20 =	simm.s32 $0x12200;
	s21 =	simm.s32 $0x1B200  }
0x6: {  	s5 =	sand.u32 $0x1, s1;
	s31 =	sshll.u32 s0, $0x1;
	s1 =	rddreg [dreg:$0x2]  }
0x7: {  	s22 =	simm.s32 $0x0;
	[smem:$0x7FF] =	sst s2;
	s6 =	sor.u32 s5, s31  }
0x8: {  	_ =	strace $0x8000004A;
	s5 =	ssub.s32 $0x2, s5;
	s3 =	smul.u32 $0x120, s6  }
0x9: {  	s9 =	smul.u32 $0x1200, s6;
	s6 =	sshll.u32 s6, $0x4;
	s11 =	sshrl.u32 s5, $0x1  }
0xa: {  	s12 =	sadd.s32 s6, s4;
	s11 =	ssub.s32 s5, s11;
	s7 =	sshrl.u32 s3, $0x3  }
0xb: {  	s3 =	sadd.s32 $0x48600, s4;
	s10 =	sadd.s32 s9, s4;
	s8 =	sadd.s32 s8, s9  }
0xc: {  	s9 =	sadd.s32 $0x71400, s12;
	s12 =	simm.s32 $0x80;
	s7 =	sadd.s32 s7, s4  }
0xd: {  	s4 =	sadd.s32 $0x70E00, s7;
	s5 =	sadd.s32 $0x70E0C, s7;
	s6 =	sadd.s32 $0x70E18, s7  }
0xe: {  	s7 =	sadd.s32 $0x600, s10;
	s10 =	smax.u32 s11, $0x1;
	s11 =	simm.s32 $0x2  }
.LBB2_1:
0xf: {  	[tilespmem:s2], [sflag:$0x2] =	stream.linear.gather [hbm4b:s4+s2], $0x60, $0x38;
	[tilespmem:$0x1B280] =	vst v63  }
0x10: {  	_ =	swait.ge [sflag:s11], $0x60  }
0x11: {  	[sflag:s11] =	ssyncset.done $0x0  }
0x12: {  	[sflag:s11] =	ssyncadd.s32 $0xFFFFFFA0  }
0x13: {  	[tilespmem:s12], [sflag:$0x2] =	stream.linear.gather [hbm4b:s5+s2], $0x60, $0x38;
	[tilespmem:$0x1B280] =	vst v63  }
0x14: {  	_ =	swait.ge [sflag:s11], $0x60  }
0x15: {  	[sflag:s11] =	ssyncset.done $0x0  }
0x16: {  	[sflag:s11] =	ssyncadd.s32 $0xFFFFFFA0  }
0x17: {  	[tilespmem:s13], [sflag:$0x2] =	stream.linear.gather [hbm4b:s6+s2], $0x60, $0x38;
	[tilespmem:$0x1B280] =	vst v63  }
0x18: {  	_ =	swait.ge [sflag:s11], $0x60  }
0x19: {  	[sflag:s11] =	ssyncset.done $0x0  }
0x1a: {  	[sflag:s11] =	ssyncadd.s32 $0xFFFFFFA0  }
0x1b: {  	[tilespmem:s15], [sflag:$0x1] =	stream.indirect.gather [hbm4b:s3+s14], $0x80, s2, s14, $0xb8;
	[tilespmem:$0x1B280] =	vst v63  }
0x1c: {  	_ = 	snop  }
0x1d: {  	[tilespmem:s16], [sflag:$0x1] =	stream.indirect.gather [hbm4b:s3+s14], $0x80, s12, s14, $0xb8;
	[tilespmem:$0x1B280] =	vst v63  }
0x1e: {  	_ = 	snop  }
0x1f: {  	[tilespmem:s17], [sflag:$0x1] =	stream.indirect.gather [hbm4b:s3+s14], $0x80, s13, s14, $0xb8;
	[tilespmem:$0x1B280] =	vst v63  }
0x20: {  	_ = 	snop  }
0x21: {  	[tilespmem:s18], [sflag:$0x2] =	stream.linear.gather [hbm4b:s7+s2], $0x9000, $0x38;
	[tilespmem:$0x1B280] =	vst v63  }
0x22: {  	_ =	swait.ge [sflag:s11], $0x9000  }
0x23: {  	[sflag:s11] =	ssyncset.done $0x0  }
0x24: {  	[sflag:s11] =	ssyncadd.s32 $0xFFFF7000  }
0x25: {  	_ =	swait.ge [sflag:s19], $0x3000  }
0x26: {  	[sflag:s19] =	ssyncset.done $0x0  }
0x27: {  	[sflag:s19] =	ssyncadd.s32 $0xFFFFD000  }
0x28: {  	_ =	swait.ge [sflag:s19], $0x3000  }
0x29: {  	[sflag:s19] =	ssyncset.done $0x0  }
0x2a: {  	[sflag:s19] =	ssyncadd.s32 $0xFFFFD000  }
0x2b: {  	_ =	swait.ge [sflag:s19], $0x3000  }
0x2c: {  	[sflag:s19] =	ssyncset.done $0x0  }
0x2d: {  	s24 =	simm.s32 $0x0;
	[sflag:s19] =	ssyncadd.s32 $0xFFFFD000  }
0x2e: {  	v0 =	vld [tilespmem:s24+$0x9200]  }
0x2f: {  	v1 =	vld [tilespmem:s24+$0x200]  }
0x30: {  	v2 =	vld [tilespmem:s24+$0x9210]  }
0x31: {  	v4 =	vld [tilespmem:s24+$0x210]  }
0x32: {  	v6 =	vld [tilespmem:s24+$0x9220]  }
0x33: {  	v7 =	vld [tilespmem:s24+$0x220]  }
0x34: {  	v8 =	vld [tilespmem:s24+$0x9230];
	v1 =	vsub.f32 v1, v0  }
0x35: {  	s23 =	simm.s32 $0x80;
	v9 =	vld [tilespmem:s24+$0x230]  }
0x36: {  	v5 =	vld [tilespmem:s23+$0x9200];
	v4 =	vsub.f32 v4, v2;
	v0 =	vadd.f32 v1, v0;
	v1 =	vmul.f32 v1, v1  }
0x37: {  	v11 =	vimm.f32 $0.0e+00;
	v10 =	vld [tilespmem:s23+$0x200]  }
0x38: {  	v3 =	vld [tilespmem:s23+$0x9210];
	v7 =	vsub.f32 v7, v6;
	v13 =	vmul.f32 v4, v4;
	v1 =	vadd.f32 v1, v11  }
0x39: {  	v12 =	vld [tilespmem:s23+$0x210];
	v2 =	vadd.f32 v4, v2;
	[tilespmem:s24+$0x12200] =	vst v0  }
0x3a: {  	v9 =	vsub.f32 v9, v8;
	v63 =	vmul.f32 v7, v7;
	v0 =	vld [tilespmem:s23+$0x9220];
	v11 =	vadd.f32 v13, v1  }
0x3b: {  	v4 =	vld [tilespmem:s23+$0x220];
	[tilespmem:s24+$0x12210] =	vst v2;
	v2 =	vadd.f32 v7, v6  }
0x3c: {  	v7 =	vsub.f32 v10, v5;
	v10 =	vmul.f32 v9, v9;
	v1 =	vld [tilespmem:s23+$0x9230];
	v13 =	vadd.f32 v63, v11  }
0x3d: {  	s25 =	simm.s32 $0x100;
	v6 =	vld [tilespmem:s23+$0x230];
	[tilespmem:s24+$0x12220] =	vst v2;
	v11 =	vadd.f32 v9, v8  }
0x3e: {  	s26 =	simm.s32 $0x600;
	v2 =	vld [tilespmem:s25+$0x9200];
	v9 =	vmul.f32 v7, v7;
	v8 =	vsub.f32 v12, v3;
	v10 =	vadd.f32 v10, v13  }
.LBB2_2:
0x3f: {  	p0 =	sne.s32 s26, $0x23E00;
	v12 =	vld [tilespmem:s25+$0x200];
	v5 =	vadd.f32 v7, v5;
	[tilespmem:s24+$0x12230] =	vst v11;
	v7 =	vmov v0;
	s24 =	smov.u32 s23;
	s23 =	smov.u32 s25  }
0x40: {  	v13 =	vld [tilespmem:s23+$0x9210];
	v11 =	vmul.f32 v8, v8;
	v14 =	vsub.f32 v4, v7;
	v4 =	vadd.f32 v9, v10  }
0x41: {  	v3 =	vadd.f32 v8, v3;
	v10 =	vld [tilespmem:s23+$0x210];
	[tilespmem:s24+$0x12200] =	vst v5;
	v8 =	vmov v1  }
.Ltmp0:
0x42: {  	v0 =	vld [tilespmem:s23+$0x9220];
	v9 =	vmul.f32 v14, v14;
	v15 =	vsub.f32 v6, v8;
	v6 =	vadd.f32 v11, v4;
	(pc) =	sbr.rel @p0 .LBB2_2-.Ltmp0, $4  }
0x43: {  	v16 =	vadd.f32 v14, v7;
	v4 =	vld [tilespmem:s23+$0x220];
	[tilespmem:s24+$0x12210] =	vst v3;
	v5 =	vmov v2  }
0x44: {  	v7 =	vsub.f32 v12, v5;
	v1 =	vld [tilespmem:s23+$0x9230];
	v12 =	vmul.f32 v15, v15;
	v14 =	vadd.f32 v9, v6  }
0x45: {  	s25 =	sshra.s32 s26, $0x2;
	v11 =	vadd.f32 v15, v8;
	v6 =	vld [tilespmem:s23+$0x230];
	[tilespmem:s24+$0x12220] =	vst v16;
	v3 =	vmov v13  }
0x46: {  	s26 =	sadd.s32 $0x200, s26;
	v2 =	vld [tilespmem:s25+$0x9200];
	v9 =	vmul.f32 v7, v7;
	v8 =	vsub.f32 v10, v3;
	v10 =	vadd.f32 v12, v14  }
0x47: {  	v12 =	vld [tilespmem:s25+$0x200];
	[tilespmem:s24+$0x12230] =	vst v11;
	v5 =	vadd.f32 v7, v5  }
0x48: {  	v48 =	vld [tilespmem:s25+$0x9210];
	v13 =	vmul.f32 v8, v8;
	v4 =	vsub.f32 v4, v0;
	v9 =	vadd.f32 v9, v10  }
0x49: {  	v11 =	vld [tilespmem:s25+$0x210];
	v3 =	vadd.f32 v8, v3;
	[tilespmem:s23+$0x12200] =	vst v5  }
0x4a: {  	v5 =	vld [tilespmem:s25+$0x9220];
	v49 =	vmul.f32 v4, v4;
	v6 =	vsub.f32 v6, v1;
	v9 =	vadd.f32 v13, v9  }
0x4b: {  	v50 =	vld [tilespmem:s25+$0x220];
	[tilespmem:s23+$0x12210] =	vst v3  }
0x4c: {  	v52 =	vld [tilespmem:s25+$0x9230];
	v51 =	vsub.f32 v12, v2;
	v53 =	vmul.f32 v6, v6;
	v8 =	vadd.f32 v49, v9  }
0x4d: {  	v54 =	vld [tilespmem:s25+$0x230]  }
0x4e: {  	v11 =	vsub.f32 v11, v48;
	v8 =	vadd.f32 v53, v8;
	v55 =	vmul.f32 v51, v51  }
0x4f: {  	v0 =	vadd.f32 v4, v0  }
0x50: {  	v57 =	vmul.f32 v11, v11;
	v10 =	vsub.f32 v50, v5;
	v56 =	vadd.f32 v55, v8  }
0x51: {  	v1 =	vadd.f32 v6, v1;
	v2 =	vadd.f32 v51, v2  }
0x52: {  	[tilespmem:s23+$0x12220] =	vst v0;
	v59 =	vsub.f32 v54, v52;
	v58 =	vmul.f32 v10, v10;
	v4 =	vadd.f32 v57, v56  }
0x53: {  	[tilespmem:s23+$0x12230] =	vst v1;
	v60 =	vadd.f32 v11, v48  }
0x54: {  	[tilespmem:s25+$0x12200] =	vst v2;
	v61 =	vadd.f32 v10, v5;
	v62 =	vmul.f32 v59, v59;
	v0 =	vadd.f32 v58, v4  }
0x55: {  	[tilespmem:s25+$0x12210] =	vst v60;
	v63 =	vadd.f32 v59, v52  }
0x56: {  	[tilespmem:s25+$0x12220] =	vst v61;
	v0 =	vadd.f32 v62, v0  }
0x57: {  	[tilespmem:s25+$0x12230] =	vst v63  }
0x58: {  	[tilespmem:$0x1B200] =	vst v0  }
0x59: {  	[hbm4b:s8+s2] =	stream.linear.scatter [tilespmem:s20], [sflag:$0x2], $0x9000, $0x38;
	[tilespmem:$0x1B280] =	vst v63  }
0x5a: {  	s22 =	sadd.s32 $0x1, s22;
	_ =	swait.ge [sflag:s11], $0x9000  }
0x5b: {  	p0 =	sne.s32 s22, s10;
	[sflag:s11] =	ssyncset.done $0x0  }
.Ltmp1:
0x5c: {  	[sflag:s11] =	ssyncadd.s32 $0xFFFF7000;
	(pc) =	sbr.rel @p0 .LBB2_1-.Ltmp1, $4  }
0x5d: {  	[hbm4b:s9+s2] =	stream.linear.scatter [tilespmem:s21], [sflag:$0x2], $0x80, $0x38;
	[tilespmem:$0x1B280] =	vst v63  }
0x5e: {  	_ =	swait.ge [sflag:s11], $0x80  }
0x5f: {  	[sflag:s11] =	ssyncset.done $0x0  }
0x60: {  	[sflag:s11] =	ssyncadd.s32 $0xFFFFFF80  }
0x61: {  	_ =	sfence.sel $0x180000  }
0x62: {  	[bflag:$0x0] =	sbarrier.arrive $0xFFFF  }
0x63: {  	p0 =	sne.s32 s0, $0x0;
	_ =	strace $0x9000004A  }
0x64: {  	s0 =	sadd.s32 @!p0 $0x100000, s1;
	[bflag:$0x2] =	sbarrier.arrive $0xFFFF  }
0x65: {  	[sflag:s0] =	ssyncadd.tile.s32 @!p0 $0x1;
	_ =	shalt  }
.Lfunc_end2:
_tile_overlayer_lowered:
.L_overlay_start_2:
0x66: {  	(tag) =	ssettag $0x2  }
0x67: {  	s0 =	rddreg [dreg:$0x0];
	s2 =	stileid.u32  }
0x68: {  	s1 =	rddreg [dreg:$0x1];
	p0 =	sne.s32 s2, $0x0  }
0x69: {  	s3 =	rddreg [dreg:$0x2];
	[bflag:$0x3] =	sbarrier.arrive $0xFFFF;
	s2 =	simm.s32 @!p0 $0x1C02  }
0x6a: {  	[timem:s3], [sflag:s2] =	dma.local @!p0 [hbm:s0], s1  }
0x6b: {  	s0 =	simm.s32 @!p0 $0x2  }
0x6c: {  	_ =	swait.ge @!p0 [sflag:s0], s1  }
0x6d: {  	s1 =	ssub.s32 @!p0 $0x0, s1;
	[sflag:s0] =	ssyncset.done @!p0 $0x0  }
0x6e: {  	[sflag:s0] =	ssyncadd.s32 @!p0 s1  }
0x6f: {  	[bflag:$0x3] =	sbarrier.arrive $0xFFFF  }
0x70: {  	_ =	shalt  }

// kernel: kernel.9.cloned.1.call-start
scs
__scs_entry_jumppad:
0x0: {  	(pc) =	sbr.rel $0x88, $3  }
0x1: {  	(tag) =	ssettag $0x0;
	lr =	simm.s32 $0x1  }
0x2: {  	[smem:$0x3F9F] =	sst lr;
	_ =	strace $0xD0000000  }
0x3: {  	_ = 	snop  }
0x4: {  	_ = 	snop  }
0x5: {  	_ = 	snop  }
0x6: {  	_ = 	snop  }
0x7: {  	_ = 	snop  }
__scs_overlays_trampoline_lowered:
0x8: {  	[smem:$0x3FAE] =	sst s0  }
0x9: {  	[smem:$0x3FAF] =	sst s1  }
0xa: {  	[smem:$0x3FB0] =	sst s2  }
0xb: {  	[smem:$0x3FB1] =	sst s3  }
0xc: {  	[smem:$0x3FB2] =	sst s4  }
0xd: {  	[smem:$0x3FB3] =	sst s5  }
0xe: {  	[smem:$0x3FB4] =	sst s6  }
0xf: {  	[smem:$0x3FB5] =	sst s7  }
0x10: {  	[smem:$0x3FB6] =	sst s8  }
0x11: {  	[smem:$0x3FB7] =	sst s9;
	s0 =	simm.s32 @!p0 $0x0  }
0x12: {  	s1 =	sld [smem:$0x3F9D];
	s0 =	simm.s32 @p0 $0x1  }
0x13: {  	[smem:$0x3FB8] =	sst s0;
	s0 =	simm.s32 @!p1 $0x0  }
0x14: {  	s2 =	sld [smem:$0x3F9C];
	s0 =	simm.s32 @p1 $0x1  }
0x15: {  	[smem:$0x3FB9] =	sst s0;
	s0 =	simm.s32 @!p2 $0x0  }
0x16: {  	s3 =	sld [smem:$0x3FDB];
	s0 =	simm.s32 @p2 $0x1  }
0x17: {  	s4 =	simm.s32 $0x1BF5;
	[smem:$0x3FBB] =	sst s0  }
0x18: {  	s0 =	sld [smem:$0x3F9E];
	_ =	swait.ge [sflag:s4], $0x0  }
0x19: {  	s7 =	sld [smem:$0x3F9F]  }
0x1a: {  	s8 =	sadd.s32 $0xFFFFE003, lr  }
0x1b: {  	s9 =	sadd.s32 $0xFFFFFEF7, lr;
	s5 =	simm.s32 $0xFFFFFFFF;
	p2 =	slt.u32 s8, $0xFFFFF086  }
0x1c: {  	p1 =	slt.u32 s9, $0xF7A;
	s5 =	simm.s32 @!p2 $0x0  }
0x1d: {  	s5 =	simm.s32 @p1 $0x1;
	p0 =	seq.s32 s7, s2  }
0x1e: {  	s7 =	smul.u32 @!p0 $0xF7A, s2;
	p2 =	seq.s32 @!p0 s5, $0x0  }
0x1f: {  	s9 =	smul.u32 $0xF7A, s1;
	s8 =	simm.s32 @!p0 $0x1BF5;
	p2 =	por !p2, p0  }
0x20: {  	[sflag:s8] =	ssyncset.s32 @!p0 $0xFFFFF086;
	s6 =	sadd.s32 @!p0 s3, s7;
	s7 =	simm.s32 @!p0 $0x108  }
0x21: {  	s3 =	sadd.s32 s3, s9;
	s6 =	sadd.s32 @!p0 $0x88, s6;
	s7 =	simm.s32 @p2 $0x1082  }
0x22: {  	[simem:s7], [sflag:s8] =	dma.local @!p0 [hbm:s6], $0xF7A  }
0x23: {  	s9 =	sor.u32 $0xD0000000, s2;
	s6 =	simm.s32 $0x108;
	_ =	swait.ge @!p0 [sflag:s8], $0x0  }
0x24: {  	s3 =	sadd.s32 $0x88, s3;
	s6 =	simm.s32 @!p1 $0x1082;
	[sflag:s4] =	ssyncset.s32 $0xFFFFF086  }
0x25: {  	[simem:s6], [sflag:s4] =	dma.local [hbm:s3], $0xF7A  }
0x26: {  	[smem:$0x3F9F] =	sst s1;
	(tag) =	ssettag s2;
	_ =	strace s9  }
0x27: {  	s1 =	sld [smem:$0x3FAF]  }
0x28: {  	s2 =	sld [smem:$0x3FB0]  }
0x29: {  	s4 =	sld [smem:$0x3FB2]  }
0x2a: {  	p0 =	seq.s32 s5, $0x0;
	s5 =	sld [smem:$0x3FB3]  }
0x2b: {  	s6 =	sld [smem:$0x3FB4]  }
0x2c: {  	s7 =	sld [smem:$0x3FB5]  }
0x2d: {  	s3 =	simm.s32 $0x108;
	s8 =	sld [smem:$0x3FB6]  }
0x2e: {  	s3 =	simm.s32 @!p0 $0x1082;
	s9 =	sld [smem:$0x3FB7]  }
0x2f: {  	lr =	sadd.s32 s0, s3;
	s0 =	sld [smem:$0x3FAE]  }
0x30: {  	s3 =	sld [smem:$0x3FB1]  }
0x31: {  	[smem:$0x3FBA] =	sst s10  }
0x32: {  	s10 =	sld [smem:$0x3FB8];
	_ =	sdelay $0x3  }
0x33: {  	p0 =	seq.s32 s10, $0x1;
	s10 =	sld [smem:$0x3FBA];
	_ =	sdelay $0x3  }
0x34: {  	[smem:$0x3FBA] =	sst s10  }
0x35: {  	s10 =	sld [smem:$0x3FB9];
	_ =	sdelay $0x3  }
0x36: {  	p1 =	seq.s32 s10, $0x1;
	s10 =	sld [smem:$0x3FBA];
	_ =	sdelay $0x3  }
0x37: {  	[smem:$0x3FBA] =	sst s10  }
0x38: {  	s10 =	sld [smem:$0x3FBB]  }
0x39: {  	_ = 	snop;
	(pc) =	sbr.ind lr, $3  }
0x3a: {  	_ = 	snop  }
0x3b: {  	_ = 	snop  }
0x3c: {  	p2 =	seq.s32 s10, $0x1;
	s10 =	sld [smem:$0x3FBA]  }
0x3d: {  	_ =	shalt  }
0x3e: {  	_ =	shalt  }
0x3f: {  	_ =	shalt  }
0x40: {  	_ =	shalt  }
0x41: {  	_ =	shalt  }
0x42: {  	_ =	shalt  }
0x43: {  	_ =	shalt  }
0x44: {  	_ =	shalt  }
0x45: {  	_ =	shalt  }
0x46: {  	_ =	shalt  }
0x47: {  	_ =	shalt  }
0x48: {  	_ =	shalt  }
0x49: {  	_ =	shalt  }
0x4a: {  	_ =	shalt  }
0x4b: {  	_ =	shalt  }
0x4c: {  	_ =	shalt  }
0x4d: {  	_ =	shalt  }
0x4e: {  	_ =	shalt  }
0x4f: {  	_ =	shalt  }
0x50: {  	_ =	shalt  }
0x51: {  	_ =	shalt  }
0x52: {  	_ =	shalt  }
0x53: {  	_ =	shalt  }
0x54: {  	_ =	shalt  }
0x55: {  	_ =	shalt  }
0x56: {  	_ =	shalt  }
0x57: {  	_ =	shalt  }
0x58: {  	_ =	shalt  }
0x59: {  	_ =	shalt  }
0x5a: {  	_ =	shalt  }
0x5b: {  	_ =	shalt  }
0x5c: {  	_ =	shalt  }
0x5d: {  	_ =	shalt  }
0x5e: {  	_ =	shalt  }
0x5f: {  	_ =	shalt  }
0x60: {  	_ =	shalt  }
0x61: {  	_ =	shalt  }
0x62: {  	_ =	shalt  }
0x63: {  	_ =	shalt  }
0x64: {  	_ =	shalt  }
0x65: {  	_ =	shalt  }
0x66: {  	_ =	shalt  }
0x67: {  	_ =	shalt  }
0x68: {  	_ =	shalt  }
0x69: {  	_ =	shalt  }
0x6a: {  	_ =	shalt  }
0x6b: {  	_ =	shalt  }
0x6c: {  	_ =	shalt  }
0x6d: {  	_ =	shalt  }
0x6e: {  	_ =	shalt  }
0x6f: {  	_ =	shalt  }
0x70: {  	_ =	shalt  }
0x71: {  	_ =	shalt  }
0x72: {  	_ =	shalt  }
0x73: {  	_ =	shalt  }
0x74: {  	_ =	shalt  }
0x75: {  	_ =	shalt  }
0x76: {  	_ =	shalt  }
0x77: {  	_ =	shalt  }
0x78: {  	_ =	shalt  }
0x79: {  	_ =	shalt  }
0x7a: {  	_ =	shalt  }
0x7b: {  	_ =	shalt  }
0x7c: {  	_ =	shalt  }
0x7d: {  	_ =	shalt  }
0x7e: {  	_ =	shalt  }
0x7f: {  	_ =	shalt  }
0x80: {  	_ =	shalt  }
0x81: {  	_ =	shalt  }
0x82: {  	_ =	shalt  }
0x83: {  	_ =	shalt  }
0x84: {  	_ =	shalt  }
0x85: {  	_ =	shalt  }
0x86: {  	_ =	shalt  }
0x87: {  	_ =	shalt  }
.Lfunc_end0:
.L_simem_size_0:
called_computation.1_lowered:
.L_overlay_start_0:
0x88: {  	s2 =	sld [smem:$0x3FD9]  }
0x89: {  	s3 =	sld [smem:$0x3FFE];
	_ =	sdelay $0x1  }
0x8a: {  	s1 =	srdreg.scid  }
0x8b: {  	s0 =	sand.u32 $0x1, s1  }
0x8c: {  	s16 =	sshll.u32 s0, $0xA;
	s2 =	sadd.s32 s3, s2  }
0x8d: {  	s2 =	sadd.s32 s2, s16  }
0x8e: {  	[smem:$0x3FC6] =	sst s2  }
0x8f: {  	_ = 	snop  }
0x90: {  	(tm) =	ssettm $0x1  }
0x91: {  	s17 =	sld [smem:$0x3FFB];
	_ =	sdelay $0x3  }
0x92: {  	_ =	strace s17  }
0x93: {  	s2 =	sld [smem:$0x3FFC];
	_ =	sdelay $0x3  }
0x94: {  	_ =	strace s2  }
0x95: {  	s2 =	sld [smem:$0x3FFD];
	_ =	sdelay $0x3  }
0x96: {  	_ =	strace s2  }
0x97: {  	_ =	strace $0x8FFFFFFF  }
0x98: {  	s18 =	sld [smem:$0x3FDB];
	_ =	sdelay $0x1  }
0x99: {  	s19 =	simm.s32 $_scs_section_size  }
0x9a: {  	s4 =	simm.s32 $_size__tile_overlayer_lowered;
	s5 =	simm.s32 $_tile_overlayer_lowered  }
0x9b: {  	s22 =	simm.s32 $0x1BFF;
	s21 =	sshll.u32 s5, $0x1;
	s2 =	sadd.s32 s19, s18  }
0x9c: {  	s6 =	simm.s32 $0x0;
	s20 =	sshll.u32 s4, $0x1;
	s4 =	sadd.s32 s21, s2  }
0x9d: {  	[timem:s6], [sflag:s22] =	dma.local [hbm:s4], s20  }
0x9e: {  	_ =	swait.ge [sflag:s22], s20  }
0x9f: {  	s3 =	ssub.s32 $0x0, s20;
	[sflag:s22] =	ssyncset.done $0x0  }
0xa0: {  	[sflag:s22] =	ssyncadd.s32 s3;
	_ =	sdelay $0x1  }
0xa1: {  	s23 =	simm.s32 $0x1B8B  }
0xa2: {  	_ =	swait.ge [sflag:s23], $0x1  }
0xa3: {  	[sflag:s23] =	ssyncset.done $0x0  }
0xa4: {  	s25 =	simm.s32 $0x1B8E;
	s24 =	sld [smem:$0x3FFE];
	[sflag:s23] =	ssyncadd.s32 $0xFFFFFFFF  }
0xa5: {  	s26 =	simm.s32 $execute0_lowered;
	[smem:$0x3FD2] =	sst s25  }
0xa6: {  	s4 =	sshll.u32 s26, $0x1;
	_ =	strace $0x80000046;
	[dreg:$0x1] =	wrdreg $0xFFFFFFFF  }
0xa7: {  	s28 =	simm.s32 $_size_execute0_lowered;
	s2 =	sadd.s32 s2, s4;
	[dreg:$0x0] =	wrdreg $0x0  }
0xa8: {  	s4 =	sshll.u32 s28, $0x1;
	[dreg:$0x2] =	wrdreg s2  }
0xa9: {  	[dreg:$0x3] =	wrdreg s4  }
0xaa: {  	[dreg:$0x4] =	wrdreg $0xC0  }
0xab: {  	_ =	task [dreg:s6], $0x5FFFF  }
0xac: {  	[dreg:$0x1] =	wrdreg $0xFFFFFFFF  }
0xad: {  	[dreg:$0x0] =	wrdreg $0x60  }
0xae: {  	[dreg:$0x2] =	wrdreg s24  }
0xaf: {  	[dreg:$0x3] =	wrdreg $0xA  }
0xb0: {  	_ =	task.clear_ibuf [dreg:s6], $0x4FFFF;
	_ =	strace $0x90000046  }
0xb1: {  	s29 =	simm.s32 $0xA;
	_ =	strace $0x80000048  }
0xb2: {  	_ =	swait.ge [sflag:s29], $0x1  }
0xb3: {  	[sflag:s29] =	ssyncadd.s32 $0xFFFFFFFF  }
0xb4: {  	_ =	strace $0x90000048  }
0xb5: {  	_ =	sfence  }
0xb6: {  	s30 =	sld [smem:$0x0];
	_ =	sdelay $0x2  }
0xb7: {  	s31 =	sshll.u32 s1, $0xD;
	s1 =	sshrl.u32 s1, $0x2  }
0xb8: {  	s3 =	sand.u32 $0x4000, s31;
	s1 =	sadd.s32 s1, s30  }
0xb9: {  	s0 =	sor.u32 s3, s0;
	s1 =	sshll.u32 s1, $0x11  }
0xba: {  	s0 =	sor.u32 s1, s0  }
0xbb: {  	s0 =	sadd.s32 $0x8F2B, s0  }
0xbc: {  	[sflag:s0] =	ssyncadd.remote.s32 $0x1  }
0xbd: {  	_ =	sfence.sel $0xFFFF  }
0xbe: {  	[dreg:$0x0] =	wrdreg $0xFFFFFFFF;
	(pc) =	sbr.abs _section_cstart, $3  }
0xbf: {  	[dreg:$0x1] =	wrdreg $0xFFFFFFFF  }
0xc0: {  	_ =	task.clear_ibuf [dreg:s6], $0x2FFFF;
	_ =	strace $0x9FFFFFFF  }
0xc1: {  	(tm) =	ssettm $0x7FFFFFFF  }
tec
execute0_lowered:
.L_overlay_start_1:
0x0: {  	(tag) =	ssettag $0x1  }
0x1: {  	s1 =	srdreg.scid  }
0x2: {  	s0 =	stileid.u32;
	s5 =	rddreg [dreg:$0x0];
	s2 =	simm.s32 $0x0  }
0x3: {  	s12 =	simm.s32 $0x80;
	s13 =	simm.s32 $0x100;
	s14 =	simm.s32 $0x60  }
0x4: {  	s15 =	simm.s32 $0x200;
	s16 =	simm.s32 $0x3200;
	s17 =	simm.s32 $0x6200  }
0x5: {  	s18 =	simm.s32 $0x9200;
	s4 =	sand.u32 $0x1, s1;
	s30 =	sshll.u32 s0, $0x1  }
0x6: {  	s19 =	simm.s32 $0x1;
	s20 =	simm.s32 $0x12200;
	s6 =	sor.u32 s4, s30  }
0x7: {  	s21 =	simm.s32 $0x1B200;
	s1 =	rddreg [dreg:$0x1];
	s3 =	smul.u32 $0x120, s6  }
0x8: {  	s22 =	simm.s32 $0x0;
	[smem:$0x7FF] =	sst s2;
	s8 =	smul.u32 $0x1200, s6  }
0x9: {  	s4 =	ssub.s32 $0x2, s4;
	s9 =	smul.u32 $0x9000, s6;
	s6 =	sshll.u32 s6, $0x4  }
0xa: {  	_ =	strace $0x80000047;
	s31 =	sshrl.u32 s4, $0x1;
	s10 =	sadd.s32 s6, s5  }
0xb: {  	s11 =	ssub.s32 s4, s31;
	s7 =	sshrl.u32 s3, $0x3;
	s3 =	sadd.s32 $0x48600, s5  }
0xc: {  	s8 =	sadd.s32 s8, s5;
	s9 =	sshrl.u32 s9, $0x3;
	s7 =	sadd.s32 s7, s5  }
0xd: {  	s9 =	sadd.s32 s5, s9;
	s8 =	sadd.s32 $0x4CC00, s8;
	s4 =	sadd.s32 $0x4C600, s7  }
0xe: {  	s5 =	sadd.s32 $0x4C60C, s7;
	s6 =	sadd.s32 $0x4C618, s7;
	s7 =	sadd.s32 $0x24600, s9  }
0xf: {  	s9 =	sadd.s32 $0x70C00, s10;
	s10 =	smax.u32 s11, $0x1;
	s11 =	simm.s32 $0x2  }
.LBB2_1:
0x10: {  	[tilespmem:s2], [sflag:$0x2] =	stream.linear.gather [hbm4b:s4+s2], $0x60, $0x38;
	[tilespmem:$0x1B280] =	vst v63  }
0x11: {  	_ =	swait.ge [sflag:s11], $0x60  }
0x12: {  	[sflag:s11] =	ssyncset.done $0x0  }
0x13: {  	[sflag:s11] =	ssyncadd.s32 $0xFFFFFFA0  }
0x14: {  	[tilespmem:s12], [sflag:$0x2] =	stream.linear.gather [hbm4b:s5+s2], $0x60, $0x38;
	[tilespmem:$0x1B280] =	vst v63  }
0x15: {  	_ =	swait.ge [sflag:s11], $0x60  }
0x16: {  	[sflag:s11] =	ssyncset.done $0x0  }
0x17: {  	[sflag:s11] =	ssyncadd.s32 $0xFFFFFFA0  }
0x18: {  	[tilespmem:s13], [sflag:$0x2] =	stream.linear.gather [hbm4b:s6+s2], $0x60, $0x38;
	[tilespmem:$0x1B280] =	vst v63  }
0x19: {  	_ =	swait.ge [sflag:s11], $0x60  }
0x1a: {  	[sflag:s11] =	ssyncset.done $0x0  }
0x1b: {  	[sflag:s11] =	ssyncadd.s32 $0xFFFFFFA0  }
0x1c: {  	[tilespmem:s15], [sflag:$0x1] =	stream.indirect.gather [hbm4b:s3+s14], $0x80, s2, s14, $0xb8;
	[tilespmem:$0x1B280] =	vst v63  }
0x1d: {  	_ = 	snop  }
0x1e: {  	[tilespmem:s16], [sflag:$0x1] =	stream.indirect.gather [hbm4b:s3+s14], $0x80, s12, s14, $0xb8;
	[tilespmem:$0x1B280] =	vst v63  }
0x1f: {  	_ = 	snop  }
0x20: {  	[tilespmem:s17], [sflag:$0x1] =	stream.indirect.gather [hbm4b:s3+s14], $0x80, s13, s14, $0xb8;
	[tilespmem:$0x1B280] =	vst v63  }
0x21: {  	_ = 	snop  }
0x22: {  	[tilespmem:s18], [sflag:$0x2] =	stream.linear.gather [hbm4b:s7+s2], $0x9000, $0x38;
	[tilespmem:$0x1B280] =	vst v63  }
0x23: {  	_ =	swait.ge [sflag:s11], $0x9000  }
0x24: {  	[sflag:s11] =	ssyncset.done $0x0  }
0x25: {  	[sflag:s11] =	ssyncadd.s32 $0xFFFF7000  }
0x26: {  	_ =	swait.ge [sflag:s19], $0x3000  }
0x27: {  	[sflag:s19] =	ssyncset.done $0x0  }
0x28: {  	[sflag:s19] =	ssyncadd.s32 $0xFFFFD000  }
0x29: {  	_ =	swait.ge [sflag:s19], $0x3000  }
0x2a: {  	[sflag:s19] =	ssyncset.done $0x0  }
0x2b: {  	[sflag:s19] =	ssyncadd.s32 $0xFFFFD000  }
0x2c: {  	_ =	swait.ge [sflag:s19], $0x3000  }
0x2d: {  	[sflag:s19] =	ssyncset.done $0x0  }
0x2e: {  	s24 =	simm.s32 $0x0;
	[sflag:s19] =	ssyncadd.s32 $0xFFFFD000  }
0x2f: {  	v0 =	vld [tilespmem:s24+$0x9200]  }
0x30: {  	v1 =	vld [tilespmem:s24+$0x200]  }
0x31: {  	v2 =	vld [tilespmem:s24+$0x9210]  }
0x32: {  	v4 =	vld [tilespmem:s24+$0x210]  }
0x33: {  	v6 =	vld [tilespmem:s24+$0x9220]  }
0x34: {  	v7 =	vld [tilespmem:s24+$0x220]  }
0x35: {  	v8 =	vld [tilespmem:s24+$0x9230];
	v1 =	vsub.f32 v1, v0  }
0x36: {  	s23 =	simm.s32 $0x80;
	v9 =	vld [tilespmem:s24+$0x230]  }
0x37: {  	v5 =	vld [tilespmem:s23+$0x9200];
	v4 =	vsub.f32 v4, v2;
	v0 =	vadd.f32 v1, v0;
	v1 =	vmul.f32 v1, v1  }
0x38: {  	v11 =	vimm.f32 $0.0e+00;
	v10 =	vld [tilespmem:s23+$0x200]  }
0x39: {  	v3 =	vld [tilespmem:s23+$0x9210];
	v7 =	vsub.f32 v7, v6;
	v13 =	vmul.f32 v4, v4;
	v1 =	vadd.f32 v1, v11  }
0x3a: {  	v12 =	vld [tilespmem:s23+$0x210];
	v2 =	vadd.f32 v4, v2;
	[tilespmem:s24+$0x12200] =	vst v0  }
0x3b: {  	v9 =	vsub.f32 v9, v8;
	v63 =	vmul.f32 v7, v7;
	v0 =	vld [tilespmem:s23+$0x9220];
	v11 =	vadd.f32 v13, v1  }
0x3c: {  	v4 =	vld [tilespmem:s23+$0x220];
	[tilespmem:s24+$0x12210] =	vst v2;
	v2 =	vadd.f32 v7, v6  }
0x3d: {  	v7 =	vsub.f32 v10, v5;
	v10 =	vmul.f32 v9, v9;
	v1 =	vld [tilespmem:s23+$0x9230];
	v13 =	vadd.f32 v63, v11  }
0x3e: {  	s25 =	simm.s32 $0x100;
	v6 =	vld [tilespmem:s23+$0x230];
	[tilespmem:s24+$0x12220] =	vst v2;
	v11 =	vadd.f32 v9, v8  }
0x3f: {  	s26 =	simm.s32 $0x600;
	v2 =	vld [tilespmem:s25+$0x9200];
	v9 =	vmul.f32 v7, v7;
	v8 =	vsub.f32 v12, v3;
	v10 =	vadd.f32 v10, v13  }
.LBB2_2:
0x40: {  	p0 =	sne.s32 s26, $0x23E00;
	v12 =	vld [tilespmem:s25+$0x200];
	v5 =	vadd.f32 v7, v5;
	[tilespmem:s24+$0x12230] =	vst v11;
	v7 =	vmov v0;
	s24 =	smov.u32 s23;
	s23 =	smov.u32 s25  }
0x41: {  	v13 =	vld [tilespmem:s23+$0x9210];
	v11 =	vmul.f32 v8, v8;
	v14 =	vsub.f32 v4, v7;
	v4 =	vadd.f32 v9, v10  }
0x42: {  	v3 =	vadd.f32 v8, v3;
	v10 =	vld [tilespmem:s23+$0x210];
	[tilespmem:s24+$0x12200] =	vst v5;
	v8 =	vmov v1  }
.Ltmp0:
0x43: {  	v0 =	vld [tilespmem:s23+$0x9220];
	v9 =	vmul.f32 v14, v14;
	v15 =	vsub.f32 v6, v8;
	v6 =	vadd.f32 v11, v4;
	(pc) =	sbr.rel @p0 .LBB2_2-.Ltmp0, $4  }
0x44: {  	v16 =	vadd.f32 v14, v7;
	v4 =	vld [tilespmem:s23+$0x220];
	[tilespmem:s24+$0x12210] =	vst v3;
	v5 =	vmov v2  }
0x45: {  	v7 =	vsub.f32 v12, v5;
	v1 =	vld [tilespmem:s23+$0x9230];
	v12 =	vmul.f32 v15, v15;
	v14 =	vadd.f32 v9, v6  }
0x46: {  	s25 =	sshra.s32 s26, $0x2;
	v11 =	vadd.f32 v15, v8;
	v6 =	vld [tilespmem:s23+$0x230];
	[tilespmem:s24+$0x12220] =	vst v16;
	v3 =	vmov v13  }
0x47: {  	s26 =	sadd.s32 $0x200, s26;
	v2 =	vld [tilespmem:s25+$0x9200];
	v9 =	vmul.f32 v7, v7;
	v8 =	vsub.f32 v10, v3;
	v10 =	vadd.f32 v12, v14  }
0x48: {  	v12 =	vld [tilespmem:s25+$0x200];
	[tilespmem:s24+$0x12230] =	vst v11;
	v5 =	vadd.f32 v7, v5  }
0x49: {  	v48 =	vld [tilespmem:s25+$0x9210];
	v13 =	vmul.f32 v8, v8;
	v4 =	vsub.f32 v4, v0;
	v9 =	vadd.f32 v9, v10  }
0x4a: {  	v11 =	vld [tilespmem:s25+$0x210];
	v3 =	vadd.f32 v8, v3;
	[tilespmem:s23+$0x12200] =	vst v5  }
0x4b: {  	v5 =	vld [tilespmem:s25+$0x9220];
	v49 =	vmul.f32 v4, v4;
	v6 =	vsub.f32 v6, v1;
	v9 =	vadd.f32 v13, v9  }
0x4c: {  	v50 =	vld [tilespmem:s25+$0x220];
	[tilespmem:s23+$0x12210] =	vst v3  }
0x4d: {  	v52 =	vld [tilespmem:s25+$0x9230];
	v51 =	vsub.f32 v12, v2;
	v53 =	vmul.f32 v6, v6;
	v8 =	vadd.f32 v49, v9  }
0x4e: {  	v54 =	vld [tilespmem:s25+$0x230]  }
0x4f: {  	v11 =	vsub.f32 v11, v48;
	v8 =	vadd.f32 v53, v8;
	v55 =	vmul.f32 v51, v51  }
0x50: {  	v0 =	vadd.f32 v4, v0  }
0x51: {  	v57 =	vmul.f32 v11, v11;
	v10 =	vsub.f32 v50, v5;
	v56 =	vadd.f32 v55, v8  }
0x52: {  	v1 =	vadd.f32 v6, v1;
	v2 =	vadd.f32 v51, v2  }
0x53: {  	[tilespmem:s23+$0x12220] =	vst v0;
	v59 =	vsub.f32 v54, v52;
	v58 =	vmul.f32 v10, v10;
	v4 =	vadd.f32 v57, v56  }
0x54: {  	[tilespmem:s23+$0x12230] =	vst v1;
	v60 =	vadd.f32 v11, v48  }
0x55: {  	[tilespmem:s25+$0x12200] =	vst v2;
	v61 =	vadd.f32 v10, v5;
	v62 =	vmul.f32 v59, v59;
	v0 =	vadd.f32 v58, v4  }
0x56: {  	[tilespmem:s25+$0x12210] =	vst v60;
	v63 =	vadd.f32 v59, v52  }
0x57: {  	[tilespmem:s25+$0x12220] =	vst v61;
	v0 =	vadd.f32 v62, v0  }
0x58: {  	[tilespmem:s25+$0x12230] =	vst v63  }
0x59: {  	[tilespmem:$0x1B200] =	vst v0  }
0x5a: {  	[hbm4b:s8+s2] =	stream.linear.scatter [tilespmem:s20], [sflag:$0x2], $0x9000, $0x38;
	[tilespmem:$0x1B280] =	vst v63  }
0x5b: {  	s22 =	sadd.s32 $0x1, s22;
	_ =	swait.ge [sflag:s11], $0x9000  }
0x5c: {  	p0 =	sne.s32 s22, s10;
	[sflag:s11] =	ssyncset.done $0x0  }
.Ltmp1:
0x5d: {  	[sflag:s11] =	ssyncadd.s32 $0xFFFF7000;
	(pc) =	sbr.rel @p0 .LBB2_1-.Ltmp1, $4  }
0x5e: {  	[hbm4b:s9+s2] =	stream.linear.scatter [tilespmem:s21], [sflag:$0x2], $0x80, $0x38;
	[tilespmem:$0x1B280] =	vst v63  }
0x5f: {  	_ =	swait.ge [sflag:s11], $0x80  }
0x60: {  	[sflag:s11] =	ssyncset.done $0x0  }
0x61: {  	[sflag:s11] =	ssyncadd.s32 $0xFFFFFF80  }
0x62: {  	_ =	sfence.sel $0x180000  }
0x63: {  	[bflag:$0x0] =	sbarrier.arrive $0xFFFF  }
0x64: {  	p0 =	sne.s32 s0, $0x0;
	_ =	strace $0x90000047  }
0x65: {  	s0 =	sadd.s32 @!p0 $0x100000, s1;
	[bflag:$0x2] =	sbarrier.arrive $0xFFFF  }
0x66: {  	[sflag:s0] =	ssyncadd.tile.s32 @!p0 $0x1;
	_ =	shalt  }
.Lfunc_end2:
_tile_overlayer_lowered:
.L_overlay_start_2:
0x67: {  	(tag) =	ssettag $0x2  }
0x68: {  	s0 =	rddreg [dreg:$0x0];
	s2 =	stileid.u32  }
0x69: {  	s1 =	rddreg [dreg:$0x1];
	p0 =	sne.s32 s2, $0x0  }
0x6a: {  	s3 =	rddreg [dreg:$0x2];
	[bflag:$0x3] =	sbarrier.arrive $0xFFFF;
	s2 =	simm.s32 @!p0 $0x1C02  }
0x6b: {  	[timem:s3], [sflag:s2] =	dma.local @!p0 [hbm:s0], s1  }
0x6c: {  	s0 =	simm.s32 @!p0 $0x2  }
0x6d: {  	_ =	swait.ge @!p0 [sflag:s0], s1  }
0x6e: {  	s1 =	ssub.s32 @!p0 $0x0, s1;
	[sflag:s0] =	ssyncset.done @!p0 $0x0  }
0x6f: {  	[sflag:s0] =	ssyncadd.s32 @!p0 s1  }
0x70: {  	[bflag:$0x3] =	sbarrier.arrive $0xFFFF  }
0x71: {  	_ =	shalt  }

</sc_bundles>
